<compile_context>
chip_gen: v7x
topology: tpu7x:2x2x1
jax: 0.10.2.dev20260603
libtpu: 0.0.44.dev20260713+nightly
codegen_flags: <defaults>
</compile_context>

<pallas_src>
import jax
import jax.numpy as jnp
from jax.experimental import pallas as pl
from jax.experimental.pallas import tpu as pltpu

EMBED = 1024
NUM_HEADS = 16
HEAD_DIM = EMBED // NUM_HEADS
NUM_BLOCKS = 64
BS = 64
N_RAND = 3
SCALING = HEAD_DIM ** (-0.5)
NEG_INF = -1e30



def _proj_body(x_ref, w_ref, b_ref, o_ref):
    acc = jnp.dot(x_ref[...], w_ref[...], preferred_element_type=jnp.float32)
    o_ref[...] = acc + b_ref[...]


def _qkv_proj(x2d, w_all, b_all, block_m=512):
    m = x2d.shape[0]
    n = w_all.shape[1]
    k = x2d.shape[1]
    return pl.pallas_call(
        _proj_body,
        grid=(m // block_m,),
        in_specs=[
            pl.BlockSpec((block_m, k), lambda i: (i, 0)),
            pl.BlockSpec((k, n), lambda i: (0, 0)),
            pl.BlockSpec((1, n), lambda i: (0, 0)),
        ],
        out_specs=pl.BlockSpec((block_m, n), lambda i: (i, 0)),
        out_shape=jax.ShapeDtypeStruct((m, n), jnp.float32),
    )(x2d, w_all, b_all)



def _attn_body(rand_ref, q_ref, k_ref, v_ref, o_ref):
    b = pl.program_id(0)
    h = pl.program_id(1)
    base = (b * NUM_HEADS + h) * NUM_BLOCKS * N_RAND

    def blk(i, mask_cols):
        q = q_ref[0, pl.ds(i * BS, BS), 0, 0, :]
        if isinstance(i, int):
            ws = min(max(i - 1, 0), NUM_BLOCKS - 3) * BS
        else:
            ws = jnp.minimum(jnp.maximum(i - 1, 0), NUM_BLOCKS - 3) * BS
        r0 = rand_ref[base + i * N_RAND]
        r1 = rand_ref[base + i * N_RAND + 1]
        r2 = rand_ref[base + i * N_RAND + 2]

        def qk(rows, n):
            return jax.lax.dot_general(
                q, k_ref[0, pl.ds(rows, n), 0, 0, :],
                (((1,), (1,)), ((), ())),
                preferred_element_type=jnp.float32)

        scores = jnp.concatenate(
            [qk(ws, 3 * BS), qk(r0 * BS, BS), qk(r1 * BS, BS), qk(r2 * BS, BS)],
            axis=1)

        if mask_cols is not None:
            lo, hi = mask_cols
            col = jax.lax.broadcasted_iota(jnp.int32, scores.shape, 1)
            scores = jnp.where((col >= lo) & (col < hi), NEG_INF, scores)

        p = jax.nn.softmax(scores, axis=-1)

        ctx = jnp.dot(p[:, :3 * BS], v_ref[0, pl.ds(ws, 3 * BS), 0, 0, :],
                      preferred_element_type=jnp.float32)
        for c, r in ((3, r0), (4, r1), (5, r2)):
            ctx += jnp.dot(p[:, c * BS:(c + 1) * BS],
                           v_ref[0, pl.ds(r * BS, BS), 0, 0, :],
                           preferred_element_type=jnp.float32)
        o_ref[0, pl.ds(i * BS, BS), 0, 0, :] = ctx

    blk(0, (2 * BS, 3 * BS))
    jax.lax.fori_loop(1, NUM_BLOCKS - 1, lambda i, c: (blk(i, None), c)[1], 0,
                      unroll=4)
    blk(NUM_BLOCKS - 1, (0, BS))


def _block_attn(qkv, rand_attn, bsz, seqlen):
    def col_spec(group):
        return pl.BlockSpec(
            (1, seqlen, 1, 1, HEAD_DIM),
            lambda b, h, rand_ref, g=group: (b, 0, g * NUM_HEADS + h, 0, 0))

    grid_spec = pltpu.PrefetchScalarGridSpec(
        num_scalar_prefetch=1,
        grid=(bsz, NUM_HEADS),
        in_specs=[col_spec(0), col_spec(1), col_spec(2)],
        out_specs=pl.BlockSpec((1, seqlen, 1, 1, HEAD_DIM),
                               lambda b, h, rand_ref: (b, 0, h, 0, 0)),
    )
    return pl.pallas_call(
        _attn_body,
        grid_spec=grid_spec,
        out_shape=jax.ShapeDtypeStruct((bsz, seqlen, NUM_HEADS, 1, HEAD_DIM),
                                       jnp.float32),
        compiler_params=pltpu.CompilerParams(
            dimension_semantics=("arbitrary", "arbitrary")),
    )(rand_attn.reshape(-1), qkv, qkv, qkv)



def kernel(hidden_states, rand_attn, Wq, bq, Wk, bk, Wv, bv):
    bsz, seqlen, embed = hidden_states.shape

    w_all = jnp.concatenate([Wq.T * SCALING, Wk.T, Wv.T], axis=1)
    b_all = jnp.concatenate([bq * SCALING, bk, bv]).reshape(1, 3 * embed)

    x2d = hidden_states.reshape(bsz * seqlen, embed)
    qkv = _qkv_proj(x2d, w_all, b_all)
    qkv = qkv.reshape(bsz, seqlen, 3 * NUM_HEADS, 1, HEAD_DIM)

    ctx = _block_attn(qkv, rand_attn.astype(jnp.int32), bsz, seqlen)
    return ctx.reshape(bsz, seqlen, embed)

# --- scband reference (transcript-rebuilt; emitter-appended) ---
"""Pipeline reference for scband-assetattention-45277545234672 (READ-ONLY COPY).

The authoritative reference and input builder live on the scoring server;
editing this copy changes nothing except your own understanding.
"""

import jax, jax.numpy as jnp
import numpy as np

EMBED = 1024
NUM_HEADS = 16
HEAD_DIM = EMBED // NUM_HEADS
BLOCK_H = 8
BLOCK_W = 8
N_RAND = 3


def setup_inputs(seed: int = 0) -> dict:
    key = jax.random.key(seed)
    ks = jax.random.split(key, 8)
    bsz, seqlen = 2, 4096
    num_blocks = BLOCK_H * BLOCK_W
    s = 0.02
    hidden_states = jax.random.normal(ks[0], (bsz, seqlen, EMBED), dtype=jnp.float32)
    rand_attn = jax.random.randint(ks[1], (bsz, NUM_HEADS, num_blocks, N_RAND), 0, num_blocks, dtype=jnp.int64 if jax.config.jax_enable_x64 else jnp.int32)
    Wq = jax.random.normal(ks[2], (EMBED, EMBED), dtype=jnp.float32) * s
    bq = jax.random.normal(ks[3], (EMBED,), dtype=jnp.float32) * s
    Wk = jax.random.normal(ks[4], (EMBED, EMBED), dtype=jnp.float32) * s
    bk = jax.random.normal(ks[5], (EMBED,), dtype=jnp.float32) * s
    Wv = jax.random.normal(ks[6], (EMBED, EMBED), dtype=jnp.float32) * s
    bv = jax.random.normal(ks[7], (EMBED,), dtype=jnp.float32) * s
    return {"hidden_states": hidden_states, "rand_attn": rand_attn, "Wq": Wq, "bq": bq, "Wk": Wk, "bk": bk, "Wv": Wv, "bv": bv}


def _gather_b2(params, indices):
    # params: [b, h, num_blocks, block_size, d]; indices: [b, h, num_blocks, n_rand]
    b, h, nb, bs, d = params.shape
    nig = indices.shape[-2] * indices.shape[-1]
    shift = (jnp.arange(b * h * nig) // nig) * nb
    flat_idx = indices.reshape(-1) + shift
    flat_params = params.reshape(-1, bs, d)
    out = flat_params[flat_idx]
    return out.reshape(b, h, nig, bs, d)


def _forward(hidden_states, rand_attn, Wq, bq, Wk, bk, Wv, bv):
    bsz, seqlen, embed = hidden_states.shape
    num_blocks = BLOCK_H * BLOCK_W
    bs = seqlen // num_blocks
    scaling = HEAD_DIM ** (-0.5)

    def t4s(x):
        return x.reshape(bsz, seqlen, NUM_HEADS, HEAD_DIM).transpose(0, 2, 1, 3)

    q = t4s(hidden_states @ Wq.T + bq)
    k = t4s(hidden_states @ Wk.T + bk)
    v = t4s(hidden_states @ Wv.T + bv)

    bqm = q.reshape(bsz, NUM_HEADS, num_blocks, bs, HEAD_DIM)
    bkm = k.reshape(bsz, NUM_HEADS, num_blocks, bs, HEAD_DIM)
    bvm = v.reshape(bsz, NUM_HEADS, num_blocks, bs, HEAD_DIM)

    gk = _gather_b2(bkm, rand_attn).reshape(bsz, NUM_HEADS, num_blocks, N_RAND * bs, HEAD_DIM)
    gv = _gather_b2(bvm, rand_attn).reshape(bsz, NUM_HEADS, num_blocks, N_RAND * bs, HEAD_DIM)

    # first block
    first_key = jnp.concatenate([bkm[:, :, 0], bkm[:, :, 1], gk[:, :, 0]], axis=2)
    first_val = jnp.concatenate([bvm[:, :, 0], bvm[:, :, 1], gv[:, :, 0]], axis=2)
    fp = jnp.einsum('bhqd,bhkd->bhqk', bqm[:, :, 0], first_key) * scaling
    fw = jax.nn.softmax(fp, axis=-1)
    fctx = jnp.einsum('bhqk,bhkd->bhqd', fw, first_val)[:, :, None]

    # middle blocks (sliding window + random)
    ekm = jnp.concatenate([bkm[:, :, 0:-2], bkm[:, :, 1:-1], bkm[:, :, 2:]], axis=3)
    evm = jnp.concatenate([bvm[:, :, 0:-2], bvm[:, :, 1:-1], bvm[:, :, 2:]], axis=3)
    mq = bqm[:, :, 1:-1]
    inner = jnp.einsum('bhnqd,bhnkd->bhnqk', mq, ekm) * scaling
    rnd = jnp.einsum('bhnqd,bhnkd->bhnqk', mq, gk[:, :, 1:-1]) * scaling
    band = jnp.concatenate([inner, rnd], axis=-1)
    aw = jax.nn.softmax(band, axis=-1)
    ctx = jnp.einsum('bhnqk,bhnkd->bhnqd', aw[..., :3 * bs], evm)
    ctx = ctx + jnp.einsum('bhnqk,bhnkd->bhnqd', aw[..., 3 * bs:], gv[:, :, 1:-1])

    # last block
    last_key = jnp.concatenate([bkm[:, :, -2], bkm[:, :, -1], gk[:, :, -1]], axis=2)
    last_val = jnp.concatenate([bvm[:, :, -2], bvm[:, :, -1], gv[:, :, -1]], axis=2)
    lp = jnp.einsum('bhqd,bhkd->bhqk', bqm[:, :, -1], last_key) * scaling
    lw = jax.nn.softmax(lp, axis=-1)
    lctx = jnp.einsum('bhqk,bhkd->bhqd', lw, last_val)[:, :, None]

    cl = jnp.concatenate([fctx, ctx, lctx], axis=2)
    cl = cl.reshape(bsz, NUM_HEADS, seqlen, HEAD_DIM)
    cl = jnp.transpose(cl, (0, 2, 1, 3)).reshape(bsz, seqlen, embed)
    return cl


def reference(hidden_states, rand_attn, Wq, bq, Wk, bk, Wv, bv):
    return _forward(hidden_states, rand_attn, Wq, bq, Wk, bk, Wv, bv)

if __name__ == "__main__":
    import jax
    _d = setup_inputs()
    print(jax.jit(kernel)(*tuple(_d.values())))

</pallas_src>

<mosaic_0001>
module attributes {stable_mosaic.version = 14 : i64} {
  func.func @_proj_body(%arg0: i32, %arg1: memref<512x1024xf32, #tpu.memory_space<vmem>>, %arg2: memref<1024x3072xf32, #tpu.memory_space<vmem>>, %arg3: memref<1x3072xf32, #tpu.memory_space<vmem>>, %arg4: memref<512x3072xf32, #tpu.memory_space<vmem>>) attributes {dimension_semantics = [#tpu.dimension_semantics<arbitrary>], iteration_bounds = array<i64: 16>, scalar_prefetch = 0 : i64, scratch_operands = 0 : i64, tpu.core_type = #tpu.core_type<tc>, window_params = [{transform_indices = @transform_0, window_bounds = array<i64: 512, 1024>}, {pipeline_mode = #tpu.pipeline_mode<synchronous>, transform_indices = @transform_1, window_bounds = array<i64: 1024, 3072>}, {pipeline_mode = #tpu.pipeline_mode<synchronous>, transform_indices = @transform_2, window_bounds = array<i64: 1, 3072>}, {transform_indices = @transform_3, window_bounds = array<i64: 512, 3072>}]} {
    %get3A = arith.constant 0 : index
    %get3A_0 = arith.constant 0 : index
    %get3A_1 = vector.load %arg1[%get3A, %get3A_0] : memref<512x1024xf32, #tpu.memory_space<vmem>>, vector<512x1024xf32>
    %get3A_2 = arith.constant 0 : index
    %get3A_3 = arith.constant 0 : index
    %get3A_4 = vector.load %arg2[%get3A_2, %get3A_3] : memref<1024x3072xf32, #tpu.memory_space<vmem>>, vector<1024x3072xf32>
    %dot_general3A = arith.constant dense<0.000000e+00> : vector<512x3072xf32>
    %dot_general3A_5 = tpu.matmul %get3A_1, %get3A_4, %dot_general3A {dimension_numbers = #tpu.dot_dimension_numbers<[1], [0], [0], [1], [0, 0, 1, 1], [], []>, transpose_lhs_hint = false} : vector<512x1024xf32>, vector<1024x3072xf32>, vector<512x3072xf32> -> vector<512x3072xf32>
    %get3A_6 = arith.constant 0 : index
    %get3A_7 = arith.constant 0 : index
    %get3A_8 = vector.load %arg3[%get3A_6, %get3A_7] : memref<1x3072xf32, #tpu.memory_space<vmem>>, vector<1x3072xf32>
    %add3A = vector.broadcast %get3A_8 : vector<1x3072xf32> to vector<512x3072xf32>
    %add3A_9 = arith.addf %dot_general3A_5, %add3A : vector<512x3072xf32>
    %swap3A = arith.constant 0 : index
    %swap3A_10 = arith.constant 0 : index
    %swap3A_11 = vector.load %arg4[%swap3A, %swap3A_10] : memref<512x3072xf32, #tpu.memory_space<vmem>>, vector<512x3072xf32>
    tpu.vector_store %arg4[%swap3A, %swap3A_10], %add3A_9 {strides = array<i32>} : memref<512x3072xf32, #tpu.memory_space<vmem>>, vector<512x3072xf32>,
    return
  }
  func.func @transform_0(%arg0: i32) -> (i32, i32) {
    %c0_i32 = arith.constant 0 : i32
    %c0_i32_0 = arith.constant 0 : i32
    return %arg0, %c0_i32 : i32, i32
  }
  func.func @transform_1(%arg0: i32) -> (i32, i32) {
    %c0_i32 = arith.constant 0 : i32
    %c0_i32_0 = arith.constant 0 : i32
    %c0_i32_1 = arith.constant 0 : i32
    return %c0_i32, %c0_i32_0 : i32, i32
  }
  func.func @transform_2(%arg0: i32) -> (i32, i32) {
    %c0_i32 = arith.constant 0 : i32
    %c0_i32_0 = arith.constant 0 : i32
    %c0_i32_1 = arith.constant 0 : i32
    return %c0_i32, %c0_i32_0 : i32, i32
  }
  func.func @transform_3(%arg0: i32) -> (i32, i32) {
    %c0_i32 = arith.constant 0 : i32
    %c0_i32_0 = arith.constant 0 : i32
    return %arg0, %c0_i32 : i32, i32
  }
}

module attributes {stable_mosaic.version = 14 : i64} {
  func.func @_attn_body(%arg0: i32, %arg1: i32, %arg2: memref<6144xi32, #tpu.memory_space<smem>>, %arg3: memref<1x4096x1x1x64xf32, #tpu.memory_space<vmem>>, %arg4: memref<1x4096x1x1x64xf32, #tpu.memory_space<vmem>>, %arg5: memref<1x4096x1x1x64xf32, #tpu.memory_space<vmem>>, %arg6: memref<1x4096x1x1x64xf32, #tpu.memory_space<vmem>>) attributes {dimension_semantics = [#tpu.dimension_semantics<arbitrary>, #tpu.dimension_semantics<arbitrary>], iteration_bounds = array<i64: 2, 16>, scalar_prefetch = 1 : i64, scratch_operands = 0 : i64, tpu.core_type = #tpu.core_type<tc>, window_params = [{transform_indices = @transform_0, window_bounds = array<i64: 1, 4096, 1, 1, 64>}, {transform_indices = @transform_1, window_bounds = array<i64: 1, 4096, 1, 1, 64>}, {transform_indices = @transform_2, window_bounds = array<i64: 1, 4096, 1, 1, 64>}, {transform_indices = @transform_3, window_bounds = array<i64: 1, 4096, 1, 1, 64>}]} {
    %mul3A = arith.constant 16 : i32
    %mul3A_0 = arith.muli %arg0, %mul3A : i32
    %add3A = arith.addi %mul3A_0, %arg1 : i32
    %mul3A_1 = arith.constant 64 : i32
    %mul3A_2 = arith.muli %add3A, %mul3A_1 : i32
    %mul3A_3 = arith.constant 3 : i32
    %mul3A_4 = arith.muli %mul3A_2, %mul3A_3 : i32
    %get3A = arith.constant 0 : index
    %get3A_5 = arith.constant 0 : index
    %get3A_6 = arith.constant 0 : index
    %get3A_7 = arith.constant 0 : index
    %get3A_8 = arith.constant 0 : index
    %get3A_9 = vector.load %arg3[%get3A, %get3A_5, %get3A_6, %get3A_7, %get3A_8] : memref<1x4096x1x1x64xf32, #tpu.memory_space<vmem>>, vector<1x64x1x1x64xf32>
    %get3A_10 = vector.shape_cast %get3A_9 : vector<1x64x1x1x64xf32> to vector<64x64xf32>
    %add3A_11 = arith.constant 0 : i32
    %add3A_12 = arith.addi %mul3A_4, %add3A_11 : i32
    %get3A_13 = arith.index_cast %add3A_12 : i32 to index
    %get3A_14 = memref.load %arg2[%get3A_13] : memref<6144xi32, #tpu.memory_space<smem>>
    %add3A_15 = arith.constant 0 : i32
    %add3A_16 = arith.addi %mul3A_4, %add3A_15 : i32
    %add3A_17 = arith.constant 1 : i32
    %add3A_18 = arith.addi %add3A_16, %add3A_17 : i32
    %get3A_19 = arith.index_cast %add3A_18 : i32 to index
    %get3A_20 = memref.load %arg2[%get3A_19] : memref<6144xi32, #tpu.memory_space<smem>>
    %add3A_21 = arith.constant 0 : i32
    %add3A_22 = arith.addi %mul3A_4, %add3A_21 : i32
    %add3A_23 = arith.constant 2 : i32
    %add3A_24 = arith.addi %add3A_22, %add3A_23 : i32
    %get3A_25 = arith.index_cast %add3A_24 : i32 to index
    %get3A_26 = memref.load %arg2[%get3A_25] : memref<6144xi32, #tpu.memory_space<smem>>
    %get3A_27 = arith.constant 0 : index
    %get3A_28 = arith.constant 0 : index
    %get3A_29 = arith.constant 0 : index
    %get3A_30 = arith.constant 0 : index
    %get3A_31 = arith.constant 0 : index
    %get3A_32 = vector.load %arg4[%get3A_27, %get3A_28, %get3A_29, %get3A_30, %get3A_31] : memref<1x4096x1x1x64xf32, #tpu.memory_space<vmem>>, vector<1x192x1x1x64xf32>
    %get3A_33 = vector.shape_cast %get3A_32 : vector<1x192x1x1x64xf32> to vector<192x64xf32>
    %dot_general3A = arith.constant dense<0.000000e+00> : vector<64x192xf32>
    %dot_general3A_34 = tpu.matmul %get3A_10, %get3A_33, %dot_general3A {dimension_numbers = #tpu.dot_dimension_numbers<[1], [1], [0], [0], [0, 0, 1, 0], [], []>, transpose_lhs_hint = false} : vector<64x64xf32>, vector<192x64xf32>, vector<64x192xf32> -> vector<64x192xf32>
    %mul3A_35 = arith.constant 64 : i32
    %mul3A_36 = arith.muli %get3A_14, %mul3A_35 : i32
    %get3A_37 = arith.constant 0 : index
    %get3A_38 = arith.index_cast %mul3A_36 : i32 to index
    %get3A_39 = arith.constant 0 : index
    %get3A_40 = arith.constant 0 : index
    %get3A_41 = arith.constant 0 : index
    %get3A_42 = vector.load %arg4[%get3A_37, %get3A_38, %get3A_39, %get3A_40, %get3A_41] : memref<1x4096x1x1x64xf32, #tpu.memory_space<vmem>>, vector<1x64x1x1x64xf32>
    %get3A_43 = vector.shape_cast %get3A_42 : vector<1x64x1x1x64xf32> to vector<64x64xf32>
    %dot_general3A_44 = arith.constant dense<0.000000e+00> : vector<64x64xf32>
    %dot_general3A_45 = tpu.matmul %get3A_10, %get3A_43, %dot_general3A_44 {dimension_numbers = #tpu.dot_dimension_numbers<[1], [1], [0], [0], [0, 0, 1, 0], [], []>, transpose_lhs_hint = false} : vector<64x64xf32>, vector<64x64xf32>, vector<64x64xf32> -> vector<64x64xf32>
    %mul3A_46 = arith.constant 64 : i32
    %mul3A_47 = arith.muli %get3A_20, %mul3A_46 : i32
    %get3A_48 = arith.constant 0 : index
    %get3A_49 = arith.index_cast %mul3A_47 : i32 to index
    %get3A_50 = arith.constant 0 : index
    %get3A_51 = arith.constant 0 : index
    %get3A_52 = arith.constant 0 : index
    %get3A_53 = vector.load %arg4[%get3A_48, %get3A_49, %get3A_50, %get3A_51, %get3A_52] : memref<1x4096x1x1x64xf32, #tpu.memory_space<vmem>>, vector<1x64x1x1x64xf32>
    %get3A_54 = vector.shape_cast %get3A_53 : vector<1x64x1x1x64xf32> to vector<64x64xf32>
    %dot_general3A_55 = arith.constant dense<0.000000e+00> : vector<64x64xf32>
    %dot_general3A_56 = tpu.matmul %get3A_10, %get3A_54, %dot_general3A_55 {dimension_numbers = #tpu.dot_dimension_numbers<[1], [1], [0], [0], [0, 0, 1, 0], [], []>, transpose_lhs_hint = false} : vector<64x64xf32>, vector<64x64xf32>, vector<64x64xf32> -> vector<64x64xf32>
    %mul3A_57 = arith.constant 64 : i32
    %mul3A_58 = arith.muli %get3A_26, %mul3A_57 : i32
    %get3A_59 = arith.constant 0 : index
    %get3A_60 = arith.index_cast %mul3A_58 : i32 to index
    %get3A_61 = arith.constant 0 : index
    %get3A_62 = arith.constant 0 : index
    %get3A_63 = arith.constant 0 : index
    %get3A_64 = vector.load %arg4[%get3A_59, %get3A_60, %get3A_61, %get3A_62, %get3A_63] : memref<1x4096x1x1x64xf32, #tpu.memory_space<vmem>>, vector<1x64x1x1x64xf32>
    %get3A_65 = vector.shape_cast %get3A_64 : vector<1x64x1x1x64xf32> to vector<64x64xf32>
    %dot_general3A_66 = arith.constant dense<0.000000e+00> : vector<64x64xf32>
    %dot_general3A_67 = tpu.matmul %get3A_10, %get3A_65, %dot_general3A_66 {dimension_numbers = #tpu.dot_dimension_numbers<[1], [1], [0], [0], [0, 0, 1, 0], [], []>, transpose_lhs_hint = false} : vector<64x64xf32>, vector<64x64xf32>, vector<64x64xf32> -> vector<64x64xf32>
    %concatenate3A = tpu.concatenate %dot_general3A_34, %dot_general3A_45, %dot_general3A_56, %dot_general3A_67 in 1 : vector<64x192xf32>, vector<64x64xf32>, vector<64x64xf32>, vector<64x64xf32> -> vector<64x384xf32>
    %iota3A = tpu.iota {dimensions = array<i32: 1>} : vector<64x384xi32>
    %ge3A = arith.constant 128 : i32
    %ge3A_68 = vector.broadcast %ge3A : i32 to vector<64x384xi32>
    %ge3A_69 = arith.cmpi sge, %iota3A, %ge3A_68 : vector<64x384xi32>
    %lt3A = arith.constant 192 : i32
    %lt3A_70 = vector.broadcast %lt3A : i32 to vector<64x384xi32>
    %lt3A_71 = arith.cmpi slt, %iota3A, %lt3A_70 : vector<64x384xi32>
    %and3A = arith.andi %ge3A_69, %lt3A_71 : vector<64x384xi1>
    %jit3A = arith.constant -1.000000e+30 : f32
    %broadcast_in_dim3A = vector.broadcast %jit3A : f32 to vector<64x384xf32>
    %select_n3A = arith.select %and3A, %broadcast_in_dim3A, %concatenate3A : vector<64x384xi1>, vector<64x384xf32>
    %reduce_max3A = arith.constant dense<0xFF800000> : vector<64xf32>
    %reduce_max3A_72 = vector.multi_reduction <maximumf>, %select_n3A, %reduce_max3A [1] : vector<64x384xf32> to vector<64xf32>
    %max3A = arith.constant 0xFF800000 : f32
    %max3A_73 = vector.broadcast %max3A : f32 to vector<64xf32>
    %max3A_74 = arith.maximumf %max3A_73, %reduce_max3A_72 : vector<64xf32>
    %broadcast_in_dim3A_75 = vector.shape_cast %max3A_74 : vector<64xf32> to vector<64x1xf32>
    %sub3A = vector.broadcast %broadcast_in_dim3A_75 : vector<64x1xf32> to vector<64x384xf32>
    %sub3A_76 = arith.subf %select_n3A, %sub3A : vector<64x384xf32>
    %exp3A = math.exp %sub3A_76 : vector<64x384xf32>
    %reduce_sum3A = arith.constant dense<0.000000e+00> : vector<64xf32>
    %reduce_sum3A_77 = vector.multi_reduction <add>, %exp3A, %reduce_sum3A [1] : vector<64x384xf32> to vector<64xf32>
    %broadcast_in_dim3A_78 = vector.shape_cast %reduce_sum3A_77 : vector<64xf32> to vector<64x1xf32>
    %div3A = vector.broadcast %broadcast_in_dim3A_78 : vector<64x1xf32> to vector<64x384xf32>
    %div3A_79 = arith.divf %exp3A, %div3A : vector<64x384xf32>
    %slice3A = vector.extract_strided_slice %div3A_79 {offsets = [0, 0], sizes = [64, 192], strides = [1, 1]} : vector<64x384xf32> to vector<64x192xf32>
    %get3A_80 = arith.constant 0 : index
    %get3A_81 = arith.constant 0 : index
    %get3A_82 = arith.constant 0 : index
    %get3A_83 = arith.constant 0 : index
    %get3A_84 = arith.constant 0 : index
    %get3A_85 = vector.load %arg5[%get3A_80, %get3A_81, %get3A_82, %get3A_83, %get3A_84] : memref<1x4096x1x1x64xf32, #tpu.memory_space<vmem>>, vector<1x192x1x1x64xf32>
    %get3A_86 = vector.shape_cast %get3A_85 : vector<1x192x1x1x64xf32> to vector<192x64xf32>
    %dot_general3A_87 = arith.constant dense<0.000000e+00> : vector<64x64xf32>
    %dot_general3A_88 = tpu.matmul %slice3A, %get3A_86, %dot_general3A_87 {dimension_numbers = #tpu.dot_dimension_numbers<[1], [0], [0], [1], [0, 0, 1, 1], [], []>, transpose_lhs_hint = false} : vector<64x192xf32>, vector<192x64xf32>, vector<64x64xf32> -> vector<64x64xf32>
    %slice3A_89 = vector.extract_strided_slice %div3A_79 {offsets = [0, 192], sizes = [64, 64], strides = [1, 1]} : vector<64x384xf32> to vector<64x64xf32>
    %mul3A_90 = arith.constant 64 : i32
    %mul3A_91 = arith.muli %get3A_14, %mul3A_90 : i32
    %get3A_92 = arith.constant 0 : index
    %get3A_93 = arith.index_cast %mul3A_91 : i32 to index
    %get3A_94 = arith.constant 0 : index
    %get3A_95 = arith.constant 0 : index
    %get3A_96 = arith.constant 0 : index
    %get3A_97 = vector.load %arg5[%get3A_92, %get3A_93, %get3A_94, %get3A_95, %get3A_96] : memref<1x4096x1x1x64xf32, #tpu.memory_space<vmem>>, vector<1x64x1x1x64xf32>
    %get3A_98 = vector.shape_cast %get3A_97 : vector<1x64x1x1x64xf32> to vector<64x64xf32>
    %dot_general3A_99 = arith.constant dense<0.000000e+00> : vector<64x64xf32>
    %dot_general3A_100 = tpu.matmul %slice3A_89, %get3A_98, %dot_general3A_99 {dimension_numbers = #tpu.dot_dimension_numbers<[1], [0], [0], [1], [0, 0, 1, 1], [], []>, transpose_lhs_hint = false} : vector<64x64xf32>, vector<64x64xf32>, vector<64x64xf32> -> vector<64x64xf32>
    %add3A_101 = arith.addf %dot_general3A_88, %dot_general3A_100 : vector<64x64xf32>
    %slice3A_102 = vector.extract_strided_slice %div3A_79 {offsets = [0, 256], sizes = [64, 64], strides = [1, 1]} : vector<64x384xf32> to vector<64x64xf32>
    %mul3A_103 = arith.constant 64 : i32
    %mul3A_104 = arith.muli %get3A_20, %mul3A_103 : i32
    %get3A_105 = arith.constant 0 : index
    %get3A_106 = arith.index_cast %mul3A_104 : i32 to index
    %get3A_107 = arith.constant 0 : index
    %get3A_108 = arith.constant 0 : index
    %get3A_109 = arith.constant 0 : index
    %get3A_110 = vector.load %arg5[%get3A_105, %get3A_106, %get3A_107, %get3A_108, %get3A_109] : memref<1x4096x1x1x64xf32, #tpu.memory_space<vmem>>, vector<1x64x1x1x64xf32>
    %get3A_111 = vector.shape_cast %get3A_110 : vector<1x64x1x1x64xf32> to vector<64x64xf32>
    %dot_general3A_112 = arith.constant dense<0.000000e+00> : vector<64x64xf32>
    %dot_general3A_113 = tpu.matmul %slice3A_102, %get3A_111, %dot_general3A_112 {dimension_numbers = #tpu.dot_dimension_numbers<[1], [0], [0], [1], [0, 0, 1, 1], [], []>, transpose_lhs_hint = false} : vector<64x64xf32>, vector<64x64xf32>, vector<64x64xf32> -> vector<64x64xf32>
    %add3A_114 = arith.addf %add3A_101, %dot_general3A_113 : vector<64x64xf32>
    %slice3A_115 = vector.extract_strided_slice %div3A_79 {offsets = [0, 320], sizes = [64, 64], strides = [1, 1]} : vector<64x384xf32> to vector<64x64xf32>
    %mul3A_116 = arith.constant 64 : i32
    %mul3A_117 = arith.muli %get3A_26, %mul3A_116 : i32
    %get3A_118 = arith.constant 0 : index
    %get3A_119 = arith.index_cast %mul3A_117 : i32 to index
    %get3A_120 = arith.constant 0 : index
    %get3A_121 = arith.constant 0 : index
    %get3A_122 = arith.constant 0 : index
    %get3A_123 = vector.load %arg5[%get3A_118, %get3A_119, %get3A_120, %get3A_121, %get3A_122] : memref<1x4096x1x1x64xf32, #tpu.memory_space<vmem>>, vector<1x64x1x1x64xf32>
    %get3A_124 = vector.shape_cast %get3A_123 : vector<1x64x1x1x64xf32> to vector<64x64xf32>
    %dot_general3A_125 = arith.constant dense<0.000000e+00> : vector<64x64xf32>
    %dot_general3A_126 = tpu.matmul %slice3A_115, %get3A_124, %dot_general3A_125 {dimension_numbers = #tpu.dot_dimension_numbers<[1], [0], [0], [1], [0, 0, 1, 1], [], []>, transpose_lhs_hint = false} : vector<64x64xf32>, vector<64x64xf32>, vector<64x64xf32> -> vector<64x64xf32>
    %add3A_127 = arith.addf %add3A_114, %dot_general3A_126 : vector<64x64xf32>
    %swap3A = arith.constant 0 : index
    %swap3A_128 = arith.constant 0 : index
    %swap3A_129 = arith.constant 0 : index
    %swap3A_130 = arith.constant 0 : index
    %swap3A_131 = arith.constant 0 : index
    %swap3A_132 = vector.load %arg6[%swap3A, %swap3A_128, %swap3A_129, %swap3A_130, %swap3A_131] : memref<1x4096x1x1x64xf32, #tpu.memory_space<vmem>>, vector<1x64x1x1x64xf32>
    %swap3A_133 = vector.shape_cast %swap3A_132 : vector<1x64x1x1x64xf32> to vector<64x64xf32>
    %swap3A_134 = vector.shape_cast %add3A_127 : vector<64x64xf32> to vector<1x64x1x1x64xf32>
    tpu.vector_store %arg6[%swap3A, %swap3A_128, %swap3A_129, %swap3A_130, %swap3A_131], %swap3A_134 {strides = array<i32>} : memref<1x4096x1x1x64xf32, #tpu.memory_space<vmem>>, vector<1x64x1x1x64xf32>,
    %scan3A = arith.constant 1 : i32
    %scan3A_135 = arith.constant 60 : i32
    %scan3A_136 = arith.addi %scan3A, %scan3A_135 : i32
    %scan3A_137 = arith.constant 4 : i32
    scf.for %scan3A_594 = %scan3A to %scan3A_136 step %scan3A_137  : i32 {
      %mul3A_595 = arith.constant 64 : i32
      %mul3A_596 = arith.muli %scan3A_594, %mul3A_595 : i32
      %get3A_597 = arith.constant 0 : index
      %get3A_598 = arith.index_cast %mul3A_596 : i32 to index
      %get3A_599 = arith.constant 0 : index
      %get3A_600 = arith.constant 0 : index
      %get3A_601 = arith.constant 0 : index
      %get3A_602 = vector.load %arg3[%get3A_597, %get3A_598, %get3A_599, %get3A_600, %get3A_601] : memref<1x4096x1x1x64xf32, #tpu.memory_space<vmem>>, vector<1x64x1x1x64xf32>
      %get3A_603 = vector.shape_cast %get3A_602 : vector<1x64x1x1x64xf32> to vector<64x64xf32>
      %sub3A_604 = arith.constant 1 : i32
      %sub3A_605 = arith.subi %scan3A_594, %sub3A_604 : i32
      %max3A_606 = arith.constant 0 : i32
      %max3A_607 = arith.maxsi %sub3A_605, %max3A_606 : i32
      %min3A_608 = arith.constant 61 : i32
      %min3A_609 = arith.minsi %max3A_607, %min3A_608 : i32
      %mul3A_610 = arith.constant 64 : i32
      %mul3A_611 = arith.muli %min3A_609, %mul3A_610 : i32
      %mul3A_612 = arith.constant 3 : i32
      %mul3A_613 = arith.muli %scan3A_594, %mul3A_612 : i32
      %add3A_614 = arith.addi %mul3A_4, %mul3A_613 : i32
      %get3A_615 = arith.index_cast %add3A_614 : i32 to index
      %get3A_616 = memref.load %arg2[%get3A_615] : memref<6144xi32, #tpu.memory_space<smem>>
      %mul3A_617 = arith.constant 3 : i32
      %mul3A_618 = arith.muli %scan3A_594, %mul3A_617 : i32
      %add3A_619 = arith.addi %mul3A_4, %mul3A_618 : i32
      %add3A_620 = arith.constant 1 : i32
      %add3A_621 = arith.addi %add3A_619, %add3A_620 : i32
      %get3A_622 = arith.index_cast %add3A_621 : i32 to index
      %get3A_623 = memref.load %arg2[%get3A_622] : memref<6144xi32, #tpu.memory_space<smem>>
      %mul3A_624 = arith.constant 3 : i32
      %mul3A_625 = arith.muli %scan3A_594, %mul3A_624 : i32
      %add3A_626 = arith.addi %mul3A_4, %mul3A_625 : i32
      %add3A_627 = arith.constant 2 : i32
      %add3A_628 = arith.addi %add3A_626, %add3A_627 : i32
      %get3A_629 = arith.index_cast %add3A_628 : i32 to index
      %get3A_630 = memref.load %arg2[%get3A_629] : memref<6144xi32, #tpu.memory_space<smem>>
      %get3A_631 = arith.constant 0 : index
      %get3A_632 = arith.index_cast %mul3A_611 : i32 to index
      %get3A_633 = arith.constant 0 : index
      %get3A_634 = arith.constant 0 : index
      %get3A_635 = arith.constant 0 : index
      %get3A_636 = vector.load %arg4[%get3A_631, %get3A_632, %get3A_633, %get3A_634, %get3A_635] : memref<1x4096x1x1x64xf32, #tpu.memory_space<vmem>>, vector<1x192x1x1x64xf32>
      %get3A_637 = vector.shape_cast %get3A_636 : vector<1x192x1x1x64xf32> to vector<192x64xf32>
      %dot_general3A_638 = arith.constant dense<0.000000e+00> : vector<64x192xf32>
      %dot_general3A_639 = tpu.matmul %get3A_603, %get3A_637, %dot_general3A_638 {dimension_numbers = #tpu.dot_dimension_numbers<[1], [1], [0], [0], [0, 0, 1, 0], [], []>, transpose_lhs_hint = false} : vector<64x64xf32>, vector<192x64xf32>, vector<64x192xf32> -> vector<64x192xf32>
      %mul3A_640 = arith.constant 64 : i32
      %mul3A_641 = arith.muli %get3A_616, %mul3A_640 : i32
      %get3A_642 = arith.constant 0 : index
      %get3A_643 = arith.index_cast %mul3A_641 : i32 to index
      %get3A_644 = arith.constant 0 : index
      %get3A_645 = arith.constant 0 : index
      %get3A_646 = arith.constant 0 : index
      %get3A_647 = vector.load %arg4[%get3A_642, %get3A_643, %get3A_644, %get3A_645, %get3A_646] : memref<1x4096x1x1x64xf32, #tpu.memory_space<vmem>>, vector<1x64x1x1x64xf32>
      %get3A_648 = vector.shape_cast %get3A_647 : vector<1x64x1x1x64xf32> to vector<64x64xf32>
      %dot_general3A_649 = arith.constant dense<0.000000e+00> : vector<64x64xf32>
      %dot_general3A_650 = tpu.matmul %get3A_603, %get3A_648, %dot_general3A_649 {dimension_numbers = #tpu.dot_dimension_numbers<[1], [1], [0], [0], [0, 0, 1, 0], [], []>, transpose_lhs_hint = false} : vector<64x64xf32>, vector<64x64xf32>, vector<64x64xf32> -> vector<64x64xf32>
      %mul3A_651 = arith.constant 64 : i32
      %mul3A_652 = arith.muli %get3A_623, %mul3A_651 : i32
      %get3A_653 = arith.constant 0 : index
      %get3A_654 = arith.index_cast %mul3A_652 : i32 to index
      %get3A_655 = arith.constant 0 : index
      %get3A_656 = arith.constant 0 : index
      %get3A_657 = arith.constant 0 : index
      %get3A_658 = vector.load %arg4[%get3A_653, %get3A_654, %get3A_655, %get3A_656, %get3A_657] : memref<1x4096x1x1x64xf32, #tpu.memory_space<vmem>>, vector<1x64x1x1x64xf32>
      %get3A_659 = vector.shape_cast %get3A_658 : vector<1x64x1x1x64xf32> to vector<64x64xf32>
      %dot_general3A_660 = arith.constant dense<0.000000e+00> : vector<64x64xf32>
      %dot_general3A_661 = tpu.matmul %get3A_603, %get3A_659, %dot_general3A_660 {dimension_numbers = #tpu.dot_dimension_numbers<[1], [1], [0], [0], [0, 0, 1, 0], [], []>, transpose_lhs_hint = false} : vector<64x64xf32>, vector<64x64xf32>, vector<64x64xf32> -> vector<64x64xf32>
      %mul3A_662 = arith.constant 64 : i32
      %mul3A_663 = arith.muli %get3A_630, %mul3A_662 : i32
      %get3A_664 = arith.constant 0 : index
      %get3A_665 = arith.index_cast %mul3A_663 : i32 to index
      %get3A_666 = arith.constant 0 : index
      %get3A_667 = arith.constant 0 : index
      %get3A_668 = arith.constant 0 : index
      %get3A_669 = vector.load %arg4[%get3A_664, %get3A_665, %get3A_666, %get3A_667, %get3A_668] : memref<1x4096x1x1x64xf32, #tpu.memory_space<vmem>>, vector<1x64x1x1x64xf32>
      %get3A_670 = vector.shape_cast %get3A_669 : vector<1x64x1x1x64xf32> to vector<64x64xf32>
      %dot_general3A_671 = arith.constant dense<0.000000e+00> : vector<64x64xf32>
      %dot_general3A_672 = tpu.matmul %get3A_603, %get3A_670, %dot_general3A_671 {dimension_numbers = #tpu.dot_dimension_numbers<[1], [1], [0], [0], [0, 0, 1, 0], [], []>, transpose_lhs_hint = false} : vector<64x64xf32>, vector<64x64xf32>, vector<64x64xf32> -> vector<64x64xf32>
      %concatenate3A_673 = tpu.concatenate %dot_general3A_639, %dot_general3A_650, %dot_general3A_661, %dot_general3A_672 in 1 : vector<64x192xf32>, vector<64x64xf32>, vector<64x64xf32>, vector<64x64xf32> -> vector<64x384xf32>
      %reduce_max3A_674 = arith.constant dense<0xFF800000> : vector<64xf32>
      %reduce_max3A_675 = vector.multi_reduction <maximumf>, %concatenate3A_673, %reduce_max3A_674 [1] : vector<64x384xf32> to vector<64xf32>
      %max3A_676 = arith.constant 0xFF800000 : f32
      %max3A_677 = vector.broadcast %max3A_676 : f32 to vector<64xf32>
      %max3A_678 = arith.maximumf %max3A_677, %reduce_max3A_675 : vector<64xf32>
      %broadcast_in_dim3A_679 = vector.shape_cast %max3A_678 : vector<64xf32> to vector<64x1xf32>
      %sub3A_680 = vector.broadcast %broadcast_in_dim3A_679 : vector<64x1xf32> to vector<64x384xf32>
      %sub3A_681 = arith.subf %concatenate3A_673, %sub3A_680 : vector<64x384xf32>
      %exp3A_682 = math.exp %sub3A_681 : vector<64x384xf32>
      %reduce_sum3A_683 = arith.constant dense<0.000000e+00> : vector<64xf32>
      %reduce_sum3A_684 = vector.multi_reduction <add>, %exp3A_682, %reduce_sum3A_683 [1] : vector<64x384xf32> to vector<64xf32>
      %broadcast_in_dim3A_685 = vector.shape_cast %reduce_sum3A_684 : vector<64xf32> to vector<64x1xf32>
      %div3A_686 = vector.broadcast %broadcast_in_dim3A_685 : vector<64x1xf32> to vector<64x384xf32>
      %div3A_687 = arith.divf %exp3A_682, %div3A_686 : vector<64x384xf32>
      %slice3A_688 = vector.extract_strided_slice %div3A_687 {offsets = [0, 0], sizes = [64, 192], strides = [1, 1]} : vector<64x384xf32> to vector<64x192xf32>
      %get3A_689 = arith.constant 0 : index
      %get3A_690 = arith.index_cast %mul3A_611 : i32 to index
      %get3A_691 = arith.constant 0 : index
      %get3A_692 = arith.constant 0 : index
      %get3A_693 = arith.constant 0 : index
      %get3A_694 = vector.load %arg5[%get3A_689, %get3A_690, %get3A_691, %get3A_692, %get3A_693] : memref<1x4096x1x1x64xf32, #tpu.memory_space<vmem>>, vector<1x192x1x1x64xf32>
      %get3A_695 = vector.shape_cast %get3A_694 : vector<1x192x1x1x64xf32> to vector<192x64xf32>
      %dot_general3A_696 = arith.constant dense<0.000000e+00> : vector<64x64xf32>
      %dot_general3A_697 = tpu.matmul %slice3A_688, %get3A_695, %dot_general3A_696 {dimension_numbers = #tpu.dot_dimension_numbers<[1], [0], [0], [1], [0, 0, 1, 1], [], []>, transpose_lhs_hint = false} : vector<64x192xf32>, vector<192x64xf32>, vector<64x64xf32> -> vector<64x64xf32>
      %slice3A_698 = vector.extract_strided_slice %div3A_687 {offsets = [0, 192], sizes = [64, 64], strides = [1, 1]} : vector<64x384xf32> to vector<64x64xf32>
      %mul3A_699 = arith.constant 64 : i32
      %mul3A_700 = arith.muli %get3A_616, %mul3A_699 : i32
      %get3A_701 = arith.constant 0 : index
      %get3A_702 = arith.index_cast %mul3A_700 : i32 to index
      %get3A_703 = arith.constant 0 : index
      %get3A_704 = arith.constant 0 : index
      %get3A_705 = arith.constant 0 : index
      %get3A_706 = vector.load %arg5[%get3A_701, %get3A_702, %get3A_703, %get3A_704, %get3A_705] : memref<1x4096x1x1x64xf32, #tpu.memory_space<vmem>>, vector<1x64x1x1x64xf32>
      %get3A_707 = vector.shape_cast %get3A_706 : vector<1x64x1x1x64xf32> to vector<64x64xf32>
      %dot_general3A_708 = arith.constant dense<0.000000e+00> : vector<64x64xf32>
      %dot_general3A_709 = tpu.matmul %slice3A_698, %get3A_707, %dot_general3A_708 {dimension_numbers = #tpu.dot_dimension_numbers<[1], [0], [0], [1], [0, 0, 1, 1], [], []>, transpose_lhs_hint = false} : vector<64x64xf32>, vector<64x64xf32>, vector<64x64xf32> -> vector<64x64xf32>
      %add3A_710 = arith.addf %dot_general3A_697, %dot_general3A_709 : vector<64x64xf32>
      %slice3A_711 = vector.extract_strided_slice %div3A_687 {offsets = [0, 256], sizes = [64, 64], strides = [1, 1]} : vector<64x384xf32> to vector<64x64xf32>
      %mul3A_712 = arith.constant 64 : i32
      %mul3A_713 = arith.muli %get3A_623, %mul3A_712 : i32
      %get3A_714 = arith.constant 0 : index
      %get3A_715 = arith.index_cast %mul3A_713 : i32 to index
      %get3A_716 = arith.constant 0 : index
      %get3A_717 = arith.constant 0 : index
      %get3A_718 = arith.constant 0 : index
      %get3A_719 = vector.load %arg5[%get3A_714, %get3A_715, %get3A_716, %get3A_717, %get3A_718] : memref<1x4096x1x1x64xf32, #tpu.memory_space<vmem>>, vector<1x64x1x1x64xf32>
      %get3A_720 = vector.shape_cast %get3A_719 : vector<1x64x1x1x64xf32> to vector<64x64xf32>
      %dot_general3A_721 = arith.constant dense<0.000000e+00> : vector<64x64xf32>
      %dot_general3A_722 = tpu.matmul %slice3A_711, %get3A_720, %dot_general3A_721 {dimension_numbers = #tpu.dot_dimension_numbers<[1], [0], [0], [1], [0, 0, 1, 1], [], []>, transpose_lhs_hint = false} : vector<64x64xf32>, vector<64x64xf32>, vector<64x64xf32> -> vector<64x64xf32>
      %add3A_723 = arith.addf %add3A_710, %dot_general3A_722 : vector<64x64xf32>
      %slice3A_724 = vector.extract_strided_slice %div3A_687 {offsets = [0, 320], sizes = [64, 64], strides = [1, 1]} : vector<64x384xf32> to vector<64x64xf32>
      %mul3A_725 = arith.constant 64 : i32
      %mul3A_726 = arith.muli %get3A_630, %mul3A_725 : i32
      %get3A_727 = arith.constant 0 : index
      %get3A_728 = arith.index_cast %mul3A_726 : i32 to index
      %get3A_729 = arith.constant 0 : index
      %get3A_730 = arith.constant 0 : index
      %get3A_731 = arith.constant 0 : index
      %get3A_732 = vector.load %arg5[%get3A_727, %get3A_728, %get3A_729, %get3A_730, %get3A_731] : memref<1x4096x1x1x64xf32, #tpu.memory_space<vmem>>, vector<1x64x1x1x64xf32>
      %get3A_733 = vector.shape_cast %get3A_732 : vector<1x64x1x1x64xf32> to vector<64x64xf32>
      %dot_general3A_734 = arith.constant dense<0.000000e+00> : vector<64x64xf32>
      %dot_general3A_735 = tpu.matmul %slice3A_724, %get3A_733, %dot_general3A_734 {dimension_numbers = #tpu.dot_dimension_numbers<[1], [0], [0], [1], [0, 0, 1, 1], [], []>, transpose_lhs_hint = false} : vector<64x64xf32>, vector<64x64xf32>, vector<64x64xf32> -> vector<64x64xf32>
      %add3A_736 = arith.addf %add3A_723, %dot_general3A_735 : vector<64x64xf32>
      %mul3A_737 = arith.constant 64 : i32
      %mul3A_738 = arith.muli %scan3A_594, %mul3A_737 : i32
      %swap3A_739 = arith.constant 0 : index
      %swap3A_740 = arith.index_cast %mul3A_738 : i32 to index
      %swap3A_741 = arith.constant 0 : index
      %swap3A_742 = arith.constant 0 : index
      %swap3A_743 = arith.constant 0 : index
      %swap3A_744 = vector.load %arg6[%swap3A_739, %swap3A_740, %swap3A_741, %swap3A_742, %swap3A_743] : memref<1x4096x1x1x64xf32, #tpu.memory_space<vmem>>, vector<1x64x1x1x64xf32>
      %swap3A_745 = vector.shape_cast %swap3A_744 : vector<1x64x1x1x64xf32> to vector<64x64xf32>
      %swap3A_746 = vector.shape_cast %add3A_736 : vector<64x64xf32> to vector<1x64x1x1x64xf32>
      tpu.vector_store %arg6[%swap3A_739, %swap3A_740, %swap3A_741, %swap3A_742, %swap3A_743], %swap3A_746 {strides = array<i32>} : memref<1x4096x1x1x64xf32, #tpu.memory_space<vmem>>, vector<1x64x1x1x64xf32>,
      %scan3A_747 = arith.constant 1 : i32
      %scan3A_748 = arith.addi %scan3A_594, %scan3A_747 : i32
      %mul3A_749 = arith.constant 64 : i32
      %mul3A_750 = arith.muli %scan3A_748, %mul3A_749 : i32
      %get3A_751 = arith.constant 0 : index
      %get3A_752 = arith.index_cast %mul3A_750 : i32 to index
      %get3A_753 = arith.constant 0 : index
      %get3A_754 = arith.constant 0 : index
      %get3A_755 = arith.constant 0 : index
      %get3A_756 = vector.load %arg3[%get3A_751, %get3A_752, %get3A_753, %get3A_754, %get3A_755] : memref<1x4096x1x1x64xf32, #tpu.memory_space<vmem>>, vector<1x64x1x1x64xf32>
      %get3A_757 = vector.shape_cast %get3A_756 : vector<1x64x1x1x64xf32> to vector<64x64xf32>
      %sub3A_758 = arith.constant 1 : i32
      %sub3A_759 = arith.subi %scan3A_748, %sub3A_758 : i32
      %max3A_760 = arith.constant 0 : i32
      %max3A_761 = arith.maxsi %sub3A_759, %max3A_760 : i32
      %min3A_762 = arith.constant 61 : i32
      %min3A_763 = arith.minsi %max3A_761, %min3A_762 : i32
      %mul3A_764 = arith.constant 64 : i32
      %mul3A_765 = arith.muli %min3A_763, %mul3A_764 : i32
      %mul3A_766 = arith.constant 3 : i32
      %mul3A_767 = arith.muli %scan3A_748, %mul3A_766 : i32
      %add3A_768 = arith.addi %mul3A_4, %mul3A_767 : i32
      %get3A_769 = arith.index_cast %add3A_768 : i32 to index
      %get3A_770 = memref.load %arg2[%get3A_769] : memref<6144xi32, #tpu.memory_space<smem>>
      %mul3A_771 = arith.constant 3 : i32
      %mul3A_772 = arith.muli %scan3A_748, %mul3A_771 : i32
      %add3A_773 = arith.addi %mul3A_4, %mul3A_772 : i32
      %add3A_774 = arith.constant 1 : i32
      %add3A_775 = arith.addi %add3A_773, %add3A_774 : i32
      %get3A_776 = arith.index_cast %add3A_775 : i32 to index
      %get3A_777 = memref.load %arg2[%get3A_776] : memref<6144xi32, #tpu.memory_space<smem>>
      %mul3A_778 = arith.constant 3 : i32
      %mul3A_779 = arith.muli %scan3A_748, %mul3A_778 : i32
      %add3A_780 = arith.addi %mul3A_4, %mul3A_779 : i32
      %add3A_781 = arith.constant 2 : i32
      %add3A_782 = arith.addi %add3A_780, %add3A_781 : i32
      %get3A_783 = arith.index_cast %add3A_782 : i32 to index
      %get3A_784 = memref.load %arg2[%get3A_783] : memref<6144xi32, #tpu.memory_space<smem>>
      %get3A_785 = arith.constant 0 : index
      %get3A_786 = arith.index_cast %mul3A_765 : i32 to index
      %get3A_787 = arith.constant 0 : index
      %get3A_788 = arith.constant 0 : index
      %get3A_789 = arith.constant 0 : index
      %get3A_790 = vector.load %arg4[%get3A_785, %get3A_786, %get3A_787, %get3A_788, %get3A_789] : memref<1x4096x1x1x64xf32, #tpu.memory_space<vmem>>, vector<1x192x1x1x64xf32>
      %get3A_791 = vector.shape_cast %get3A_790 : vector<1x192x1x1x64xf32> to vector<192x64xf32>
      %dot_general3A_792 = arith.constant dense<0.000000e+00> : vector<64x192xf32>
      %dot_general3A_793 = tpu.matmul %get3A_757, %get3A_791, %dot_general3A_792 {dimension_numbers = #tpu.dot_dimension_numbers<[1], [1], [0], [0], [0, 0, 1, 0], [], []>, transpose_lhs_hint = false} : vector<64x64xf32>, vector<192x64xf32>, vector<64x192xf32> -> vector<64x192xf32>
      %mul3A_794 = arith.constant 64 : i32
      %mul3A_795 = arith.muli %get3A_770, %mul3A_794 : i32
      %get3A_796 = arith.constant 0 : index
      %get3A_797 = arith.index_cast %mul3A_795 : i32 to index
      %get3A_798 = arith.constant 0 : index
      %get3A_799 = arith.constant 0 : index
      %get3A_800 = arith.constant 0 : index
      %get3A_801 = vector.load %arg4[%get3A_796, %get3A_797, %get3A_798, %get3A_799, %get3A_800] : memref<1x4096x1x1x64xf32, #tpu.memory_space<vmem>>, vector<1x64x1x1x64xf32>
      %get3A_802 = vector.shape_cast %get3A_801 : vector<1x64x1x1x64xf32> to vector<64x64xf32>
      %dot_general3A_803 = arith.constant dense<0.000000e+00> : vector<64x64xf32>
      %dot_general3A_804 = tpu.matmul %get3A_757, %get3A_802, %dot_general3A_803 {dimension_numbers = #tpu.dot_dimension_numbers<[1], [1], [0], [0], [0, 0, 1, 0], [], []>, transpose_lhs_hint = false} : vector<64x64xf32>, vector<64x64xf32>, vector<64x64xf32> -> vector<64x64xf32>
      %mul3A_805 = arith.constant 64 : i32
      %mul3A_806 = arith.muli %get3A_777, %mul3A_805 : i32
      %get3A_807 = arith.constant 0 : index
      %get3A_808 = arith.index_cast %mul3A_806 : i32 to index
      %get3A_809 = arith.constant 0 : index
      %get3A_810 = arith.constant 0 : index
      %get3A_811 = arith.constant 0 : index
      %get3A_812 = vector.load %arg4[%get3A_807, %get3A_808, %get3A_809, %get3A_810, %get3A_811] : memref<1x4096x1x1x64xf32, #tpu.memory_space<vmem>>, vector<1x64x1x1x64xf32>
      %get3A_813 = vector.shape_cast %get3A_812 : vector<1x64x1x1x64xf32> to vector<64x64xf32>
      %dot_general3A_814 = arith.constant dense<0.000000e+00> : vector<64x64xf32>
      %dot_general3A_815 = tpu.matmul %get3A_757, %get3A_813, %dot_general3A_814 {dimension_numbers = #tpu.dot_dimension_numbers<[1], [1], [0], [0], [0, 0, 1, 0], [], []>, transpose_lhs_hint = false} : vector<64x64xf32>, vector<64x64xf32>, vector<64x64xf32> -> vector<64x64xf32>
      %mul3A_816 = arith.constant 64 : i32
      %mul3A_817 = arith.muli %get3A_784, %mul3A_816 : i32
      %get3A_818 = arith.constant 0 : index
      %get3A_819 = arith.index_cast %mul3A_817 : i32 to index
      %get3A_820 = arith.constant 0 : index
      %get3A_821 = arith.constant 0 : index
      %get3A_822 = arith.constant 0 : index
      %get3A_823 = vector.load %arg4[%get3A_818, %get3A_819, %get3A_820, %get3A_821, %get3A_822] : memref<1x4096x1x1x64xf32, #tpu.memory_space<vmem>>, vector<1x64x1x1x64xf32>
      %get3A_824 = vector.shape_cast %get3A_823 : vector<1x64x1x1x64xf32> to vector<64x64xf32>
      %dot_general3A_825 = arith.constant dense<0.000000e+00> : vector<64x64xf32>
      %dot_general3A_826 = tpu.matmul %get3A_757, %get3A_824, %dot_general3A_825 {dimension_numbers = #tpu.dot_dimension_numbers<[1], [1], [0], [0], [0, 0, 1, 0], [], []>, transpose_lhs_hint = false} : vector<64x64xf32>, vector<64x64xf32>, vector<64x64xf32> -> vector<64x64xf32>
      %concatenate3A_827 = tpu.concatenate %dot_general3A_793, %dot_general3A_804, %dot_general3A_815, %dot_general3A_826 in 1 : vector<64x192xf32>, vector<64x64xf32>, vector<64x64xf32>, vector<64x64xf32> -> vector<64x384xf32>
      %reduce_max3A_828 = arith.constant dense<0xFF800000> : vector<64xf32>
      %reduce_max3A_829 = vector.multi_reduction <maximumf>, %concatenate3A_827, %reduce_max3A_828 [1] : vector<64x384xf32> to vector<64xf32>
      %max3A_830 = arith.constant 0xFF800000 : f32
      %max3A_831 = vector.broadcast %max3A_830 : f32 to vector<64xf32>
      %max3A_832 = arith.maximumf %max3A_831, %reduce_max3A_829 : vector<64xf32>
      %broadcast_in_dim3A_833 = vector.shape_cast %max3A_832 : vector<64xf32> to vector<64x1xf32>
      %sub3A_834 = vector.broadcast %broadcast_in_dim3A_833 : vector<64x1xf32> to vector<64x384xf32>
      %sub3A_835 = arith.subf %concatenate3A_827, %sub3A_834 : vector<64x384xf32>
      %exp3A_836 = math.exp %sub3A_835 : vector<64x384xf32>
      %reduce_sum3A_837 = arith.constant dense<0.000000e+00> : vector<64xf32>
      %reduce_sum3A_838 = vector.multi_reduction <add>, %exp3A_836, %reduce_sum3A_837 [1] : vector<64x384xf32> to vector<64xf32>
      %broadcast_in_dim3A_839 = vector.shape_cast %reduce_sum3A_838 : vector<64xf32> to vector<64x1xf32>
      %div3A_840 = vector.broadcast %broadcast_in_dim3A_839 : vector<64x1xf32> to vector<64x384xf32>
      %div3A_841 = arith.divf %exp3A_836, %div3A_840 : vector<64x384xf32>
      %slice3A_842 = vector.extract_strided_slice %div3A_841 {offsets = [0, 0], sizes = [64, 192], strides = [1, 1]} : vector<64x384xf32> to vector<64x192xf32>
      %get3A_843 = arith.constant 0 : index
      %get3A_844 = arith.index_cast %mul3A_765 : i32 to index
      %get3A_845 = arith.constant 0 : index
      %get3A_846 = arith.constant 0 : index
      %get3A_847 = arith.constant 0 : index
      %get3A_848 = vector.load %arg5[%get3A_843, %get3A_844, %get3A_845, %get3A_846, %get3A_847] : memref<1x4096x1x1x64xf32, #tpu.memory_space<vmem>>, vector<1x192x1x1x64xf32>
      %get3A_849 = vector.shape_cast %get3A_848 : vector<1x192x1x1x64xf32> to vector<192x64xf32>
      %dot_general3A_850 = arith.constant dense<0.000000e+00> : vector<64x64xf32>
      %dot_general3A_851 = tpu.matmul %slice3A_842, %get3A_849, %dot_general3A_850 {dimension_numbers = #tpu.dot_dimension_numbers<[1], [0], [0], [1], [0, 0, 1, 1], [], []>, transpose_lhs_hint = false} : vector<64x192xf32>, vector<192x64xf32>, vector<64x64xf32> -> vector<64x64xf32>
      %slice3A_852 = vector.extract_strided_slice %div3A_841 {offsets = [0, 192], sizes = [64, 64], strides = [1, 1]} : vector<64x384xf32> to vector<64x64xf32>
      %mul3A_853 = arith.constant 64 : i32
      %mul3A_854 = arith.muli %get3A_770, %mul3A_853 : i32
      %get3A_855 = arith.constant 0 : index
      %get3A_856 = arith.index_cast %mul3A_854 : i32 to index
      %get3A_857 = arith.constant 0 : index
      %get3A_858 = arith.constant 0 : index
      %get3A_859 = arith.constant 0 : index
      %get3A_860 = vector.load %arg5[%get3A_855, %get3A_856, %get3A_857, %get3A_858, %get3A_859] : memref<1x4096x1x1x64xf32, #tpu.memory_space<vmem>>, vector<1x64x1x1x64xf32>
      %get3A_861 = vector.shape_cast %get3A_860 : vector<1x64x1x1x64xf32> to vector<64x64xf32>
      %dot_general3A_862 = arith.constant dense<0.000000e+00> : vector<64x64xf32>
      %dot_general3A_863 = tpu.matmul %slice3A_852, %get3A_861, %dot_general3A_862 {dimension_numbers = #tpu.dot_dimension_numbers<[1], [0], [0], [1], [0, 0, 1, 1], [], []>, transpose_lhs_hint = false} : vector<64x64xf32>, vector<64x64xf32>, vector<64x64xf32> -> vector<64x64xf32>
      %add3A_864 = arith.addf %dot_general3A_851, %dot_general3A_863 : vector<64x64xf32>
      %slice3A_865 = vector.extract_strided_slice %div3A_841 {offsets = [0, 256], sizes = [64, 64], strides = [1, 1]} : vector<64x384xf32> to vector<64x64xf32>
      %mul3A_866 = arith.constant 64 : i32
      %mul3A_867 = arith.muli %get3A_777, %mul3A_866 : i32
      %get3A_868 = arith.constant 0 : index
      %get3A_869 = arith.index_cast %mul3A_867 : i32 to index
      %get3A_870 = arith.constant 0 : index
      %get3A_871 = arith.constant 0 : index
      %get3A_872 = arith.constant 0 : index
      %get3A_873 = vector.load %arg5[%get3A_868, %get3A_869, %get3A_870, %get3A_871, %get3A_872] : memref<1x4096x1x1x64xf32, #tpu.memory_space<vmem>>, vector<1x64x1x1x64xf32>
      %get3A_874 = vector.shape_cast %get3A_873 : vector<1x64x1x1x64xf32> to vector<64x64xf32>
      %dot_general3A_875 = arith.constant dense<0.000000e+00> : vector<64x64xf32>
      %dot_general3A_876 = tpu.matmul %slice3A_865, %get3A_874, %dot_general3A_875 {dimension_numbers = #tpu.dot_dimension_numbers<[1], [0], [0], [1], [0, 0, 1, 1], [], []>, transpose_lhs_hint = false} : vector<64x64xf32>, vector<64x64xf32>, vector<64x64xf32> -> vector<64x64xf32>
      %add3A_877 = arith.addf %add3A_864, %dot_general3A_876 : vector<64x64xf32>
      %slice3A_878 = vector.extract_strided_slice %div3A_841 {offsets = [0, 320], sizes = [64, 64], strides = [1, 1]} : vector<64x384xf32> to vector<64x64xf32>
      %mul3A_879 = arith.constant 64 : i32
      %mul3A_880 = arith.muli %get3A_784, %mul3A_879 : i32
      %get3A_881 = arith.constant 0 : index
      %get3A_882 = arith.index_cast %mul3A_880 : i32 to index
      %get3A_883 = arith.constant 0 : index
      %get3A_884 = arith.constant 0 : index
      %get3A_885 = arith.constant 0 : index
      %get3A_886 = vector.load %arg5[%get3A_881, %get3A_882, %get3A_883, %get3A_884, %get3A_885] : memref<1x4096x1x1x64xf32, #tpu.memory_space<vmem>>, vector<1x64x1x1x64xf32>
      %get3A_887 = vector.shape_cast %get3A_886 : vector<1x64x1x1x64xf32> to vector<64x64xf32>
      %dot_general3A_888 = arith.constant dense<0.000000e+00> : vector<64x64xf32>
      %dot_general3A_889 = tpu.matmul %slice3A_878, %get3A_887, %dot_general3A_888 {dimension_numbers = #tpu.dot_dimension_numbers<[1], [0], [0], [1], [0, 0, 1, 1], [], []>, transpose_lhs_hint = false} : vector<64x64xf32>, vector<64x64xf32>, vector<64x64xf32> -> vector<64x64xf32>
      %add3A_890 = arith.addf %add3A_877, %dot_general3A_889 : vector<64x64xf32>
      %mul3A_891 = arith.constant 64 : i32
      %mul3A_892 = arith.muli %scan3A_748, %mul3A_891 : i32
      %swap3A_893 = arith.constant 0 : index
      %swap3A_894 = arith.index_cast %mul3A_892 : i32 to index
      %swap3A_895 = arith.constant 0 : index
      %swap3A_896 = arith.constant 0 : index
      %swap3A_897 = arith.constant 0 : index
      %swap3A_898 = vector.load %arg6[%swap3A_893, %swap3A_894, %swap3A_895, %swap3A_896, %swap3A_897] : memref<1x4096x1x1x64xf32, #tpu.memory_space<vmem>>, vector<1x64x1x1x64xf32>
      %swap3A_899 = vector.shape_cast %swap3A_898 : vector<1x64x1x1x64xf32> to vector<64x64xf32>
      %swap3A_900 = vector.shape_cast %add3A_890 : vector<64x64xf32> to vector<1x64x1x1x64xf32>
      tpu.vector_store %arg6[%swap3A_893, %swap3A_894, %swap3A_895, %swap3A_896, %swap3A_897], %swap3A_900 {strides = array<i32>} : memref<1x4096x1x1x64xf32, #tpu.memory_space<vmem>>, vector<1x64x1x1x64xf32>,
      %scan3A_901 = arith.constant 2 : i32
      %scan3A_902 = arith.addi %scan3A_594, %scan3A_901 : i32
      %mul3A_903 = arith.constant 64 : i32
      %mul3A_904 = arith.muli %scan3A_902, %mul3A_903 : i32
      %get3A_905 = arith.constant 0 : index
      %get3A_906 = arith.index_cast %mul3A_904 : i32 to index
      %get3A_907 = arith.constant 0 : index
      %get3A_908 = arith.constant 0 : index
      %get3A_909 = arith.constant 0 : index
      %get3A_910 = vector.load %arg3[%get3A_905, %get3A_906, %get3A_907, %get3A_908, %get3A_909] : memref<1x4096x1x1x64xf32, #tpu.memory_space<vmem>>, vector<1x64x1x1x64xf32>
      %get3A_911 = vector.shape_cast %get3A_910 : vector<1x64x1x1x64xf32> to vector<64x64xf32>
      %sub3A_912 = arith.constant 1 : i32
      %sub3A_913 = arith.subi %scan3A_902, %sub3A_912 : i32
      %max3A_914 = arith.constant 0 : i32
      %max3A_915 = arith.maxsi %sub3A_913, %max3A_914 : i32
      %min3A_916 = arith.constant 61 : i32
      %min3A_917 = arith.minsi %max3A_915, %min3A_916 : i32
      %mul3A_918 = arith.constant 64 : i32
      %mul3A_919 = arith.muli %min3A_917, %mul3A_918 : i32
      %mul3A_920 = arith.constant 3 : i32
      %mul3A_921 = arith.muli %scan3A_902, %mul3A_920 : i32
      %add3A_922 = arith.addi %mul3A_4, %mul3A_921 : i32
      %get3A_923 = arith.index_cast %add3A_922 : i32 to index
      %get3A_924 = memref.load %arg2[%get3A_923] : memref<6144xi32, #tpu.memory_space<smem>>
      %mul3A_925 = arith.constant 3 : i32
      %mul3A_926 = arith.muli %scan3A_902, %mul3A_925 : i32
      %add3A_927 = arith.addi %mul3A_4, %mul3A_926 : i32
      %add3A_928 = arith.constant 1 : i32
      %add3A_929 = arith.addi %add3A_927, %add3A_928 : i32
      %get3A_930 = arith.index_cast %add3A_929 : i32 to index
      %get3A_931 = memref.load %arg2[%get3A_930] : memref<6144xi32, #tpu.memory_space<smem>>
      %mul3A_932 = arith.constant 3 : i32
      %mul3A_933 = arith.muli %scan3A_902, %mul3A_932 : i32
      %add3A_934 = arith.addi %mul3A_4, %mul3A_933 : i32
      %add3A_935 = arith.constant 2 : i32
      %add3A_936 = arith.addi %add3A_934, %add3A_935 : i32
      %get3A_937 = arith.index_cast %add3A_936 : i32 to index
      %get3A_938 = memref.load %arg2[%get3A_937] : memref<6144xi32, #tpu.memory_space<smem>>
      %get3A_939 = arith.constant 0 : index
      %get3A_940 = arith.index_cast %mul3A_919 : i32 to index
      %get3A_941 = arith.constant 0 : index
      %get3A_942 = arith.constant 0 : index
      %get3A_943 = arith.constant 0 : index
      %get3A_944 = vector.load %arg4[%get3A_939, %get3A_940, %get3A_941, %get3A_942, %get3A_943] : memref<1x4096x1x1x64xf32, #tpu.memory_space<vmem>>, vector<1x192x1x1x64xf32>
      %get3A_945 = vector.shape_cast %get3A_944 : vector<1x192x1x1x64xf32> to vector<192x64xf32>
      %dot_general3A_946 = arith.constant dense<0.000000e+00> : vector<64x192xf32>
      %dot_general3A_947 = tpu.matmul %get3A_911, %get3A_945, %dot_general3A_946 {dimension_numbers = #tpu.dot_dimension_numbers<[1], [1], [0], [0], [0, 0, 1, 0], [], []>, transpose_lhs_hint = false} : vector<64x64xf32>, vector<192x64xf32>, vector<64x192xf32> -> vector<64x192xf32>
      %mul3A_948 = arith.constant 64 : i32
      %mul3A_949 = arith.muli %get3A_924, %mul3A_948 : i32
      %get3A_950 = arith.constant 0 : index
      %get3A_951 = arith.index_cast %mul3A_949 : i32 to index
      %get3A_952 = arith.constant 0 : index
      %get3A_953 = arith.constant 0 : index
      %get3A_954 = arith.constant 0 : index
      %get3A_955 = vector.load %arg4[%get3A_950, %get3A_951, %get3A_952, %get3A_953, %get3A_954] : memref<1x4096x1x1x64xf32, #tpu.memory_space<vmem>>, vector<1x64x1x1x64xf32>
      %get3A_956 = vector.shape_cast %get3A_955 : vector<1x64x1x1x64xf32> to vector<64x64xf32>
      %dot_general3A_957 = arith.constant dense<0.000000e+00> : vector<64x64xf32>
      %dot_general3A_958 = tpu.matmul %get3A_911, %get3A_956, %dot_general3A_957 {dimension_numbers = #tpu.dot_dimension_numbers<[1], [1], [0], [0], [0, 0, 1, 0], [], []>, transpose_lhs_hint = false} : vector<64x64xf32>, vector<64x64xf32>, vector<64x64xf32> -> vector<64x64xf32>
      %mul3A_959 = arith.constant 64 : i32
      %mul3A_960 = arith.muli %get3A_931, %mul3A_959 : i32
      %get3A_961 = arith.constant 0 : index
      %get3A_962 = arith.index_cast %mul3A_960 : i32 to index
      %get3A_963 = arith.constant 0 : index
      %get3A_964 = arith.constant 0 : index
      %get3A_965 = arith.constant 0 : index
      %get3A_966 = vector.load %arg4[%get3A_961, %get3A_962, %get3A_963, %get3A_964, %get3A_965] : memref<1x4096x1x1x64xf32, #tpu.memory_space<vmem>>, vector<1x64x1x1x64xf32>
      %get3A_967 = vector.shape_cast %get3A_966 : vector<1x64x1x1x64xf32> to vector<64x64xf32>
      %dot_general3A_968 = arith.constant dense<0.000000e+00> : vector<64x64xf32>
      %dot_general3A_969 = tpu.matmul %get3A_911, %get3A_967, %dot_general3A_968 {dimension_numbers = #tpu.dot_dimension_numbers<[1], [1], [0], [0], [0, 0, 1, 0], [], []>, transpose_lhs_hint = false} : vector<64x64xf32>, vector<64x64xf32>, vector<64x64xf32> -> vector<64x64xf32>
      %mul3A_970 = arith.constant 64 : i32
      %mul3A_971 = arith.muli %get3A_938, %mul3A_970 : i32
      %get3A_972 = arith.constant 0 : index
      %get3A_973 = arith.index_cast %mul3A_971 : i32 to index
      %get3A_974 = arith.constant 0 : index
      %get3A_975 = arith.constant 0 : index
      %get3A_976 = arith.constant 0 : index
      %get3A_977 = vector.load %arg4[%get3A_972, %get3A_973, %get3A_974, %get3A_975, %get3A_976] : memref<1x4096x1x1x64xf32, #tpu.memory_space<vmem>>, vector<1x64x1x1x64xf32>
      %get3A_978 = vector.shape_cast %get3A_977 : vector<1x64x1x1x64xf32> to vector<64x64xf32>
      %dot_general3A_979 = arith.constant dense<0.000000e+00> : vector<64x64xf32>
      %dot_general3A_980 = tpu.matmul %get3A_911, %get3A_978, %dot_general3A_979 {dimension_numbers = #tpu.dot_dimension_numbers<[1], [1], [0], [0], [0, 0, 1, 0], [], []>, transpose_lhs_hint = false} : vector<64x64xf32>, vector<64x64xf32>, vector<64x64xf32> -> vector<64x64xf32>
      %concatenate3A_981 = tpu.concatenate %dot_general3A_947, %dot_general3A_958, %dot_general3A_969, %dot_general3A_980 in 1 : vector<64x192xf32>, vector<64x64xf32>, vector<64x64xf32>, vector<64x64xf32> -> vector<64x384xf32>
      %reduce_max3A_982 = arith.constant dense<0xFF800000> : vector<64xf32>
      %reduce_max3A_983 = vector.multi_reduction <maximumf>, %concatenate3A_981, %reduce_max3A_982 [1] : vector<64x384xf32> to vector<64xf32>
      %max3A_984 = arith.constant 0xFF800000 : f32
      %max3A_985 = vector.broadcast %max3A_984 : f32 to vector<64xf32>
      %max3A_986 = arith.maximumf %max3A_985, %reduce_max3A_983 : vector<64xf32>
      %broadcast_in_dim3A_987 = vector.shape_cast %max3A_986 : vector<64xf32> to vector<64x1xf32>
      %sub3A_988 = vector.broadcast %broadcast_in_dim3A_987 : vector<64x1xf32> to vector<64x384xf32>
      %sub3A_989 = arith.subf %concatenate3A_981, %sub3A_988 : vector<64x384xf32>
      %exp3A_990 = math.exp %sub3A_989 : vector<64x384xf32>
      %reduce_sum3A_991 = arith.constant dense<0.000000e+00> : vector<64xf32>
      %reduce_sum3A_992 = vector.multi_reduction <add>, %exp3A_990, %reduce_sum3A_991 [1] : vector<64x384xf32> to vector<64xf32>
      %broadcast_in_dim3A_993 = vector.shape_cast %reduce_sum3A_992 : vector<64xf32> to vector<64x1xf32>
      %div3A_994 = vector.broadcast %broadcast_in_dim3A_993 : vector<64x1xf32> to vector<64x384xf32>
      %div3A_995 = arith.divf %exp3A_990, %div3A_994 : vector<64x384xf32>
      %slice3A_996 = vector.extract_strided_slice %div3A_995 {offsets = [0, 0], sizes = [64, 192], strides = [1, 1]} : vector<64x384xf32> to vector<64x192xf32>
      %get3A_997 = arith.constant 0 : index
      %get3A_998 = arith.index_cast %mul3A_919 : i32 to index
      %get3A_999 = arith.constant 0 : index
      %get3A_1000 = arith.constant 0 : index
      %get3A_1001 = arith.constant 0 : index
      %get3A_1002 = vector.load %arg5[%get3A_997, %get3A_998, %get3A_999, %get3A_1000, %get3A_1001] : memref<1x4096x1x1x64xf32, #tpu.memory_space<vmem>>, vector<1x192x1x1x64xf32>
      %get3A_1003 = vector.shape_cast %get3A_1002 : vector<1x192x1x1x64xf32> to vector<192x64xf32>
      %dot_general3A_1004 = arith.constant dense<0.000000e+00> : vector<64x64xf32>
      %dot_general3A_1005 = tpu.matmul %slice3A_996, %get3A_1003, %dot_general3A_1004 {dimension_numbers = #tpu.dot_dimension_numbers<[1], [0], [0], [1], [0, 0, 1, 1], [], []>, transpose_lhs_hint = false} : vector<64x192xf32>, vector<192x64xf32>, vector<64x64xf32> -> vector<64x64xf32>
      %slice3A_1006 = vector.extract_strided_slice %div3A_995 {offsets = [0, 192], sizes = [64, 64], strides = [1, 1]} : vector<64x384xf32> to vector<64x64xf32>
      %mul3A_1007 = arith.constant 64 : i32
      %mul3A_1008 = arith.muli %get3A_924, %mul3A_1007 : i32
      %get3A_1009 = arith.constant 0 : index
      %get3A_1010 = arith.index_cast %mul3A_1008 : i32 to index
      %get3A_1011 = arith.constant 0 : index
      %get3A_1012 = arith.constant 0 : index
      %get3A_1013 = arith.constant 0 : index
      %get3A_1014 = vector.load %arg5[%get3A_1009, %get3A_1010, %get3A_1011, %get3A_1012, %get3A_1013] : memref<1x4096x1x1x64xf32, #tpu.memory_space<vmem>>, vector<1x64x1x1x64xf32>
      %get3A_1015 = vector.shape_cast %get3A_1014 : vector<1x64x1x1x64xf32> to vector<64x64xf32>
      %dot_general3A_1016 = arith.constant dense<0.000000e+00> : vector<64x64xf32>
      %dot_general3A_1017 = tpu.matmul %slice3A_1006, %get3A_1015, %dot_general3A_1016 {dimension_numbers = #tpu.dot_dimension_numbers<[1], [0], [0], [1], [0, 0, 1, 1], [], []>, transpose_lhs_hint = false} : vector<64x64xf32>, vector<64x64xf32>, vector<64x64xf32> -> vector<64x64xf32>
      %add3A_1018 = arith.addf %dot_general3A_1005, %dot_general3A_1017 : vector<64x64xf32>
      %slice3A_1019 = vector.extract_strided_slice %div3A_995 {offsets = [0, 256], sizes = [64, 64], strides = [1, 1]} : vector<64x384xf32> to vector<64x64xf32>
      %mul3A_1020 = arith.constant 64 : i32
      %mul3A_1021 = arith.muli %get3A_931, %mul3A_1020 : i32
      %get3A_1022 = arith.constant 0 : index
      %get3A_1023 = arith.index_cast %mul3A_1021 : i32 to index
      %get3A_1024 = arith.constant 0 : index
      %get3A_1025 = arith.constant 0 : index
      %get3A_1026 = arith.constant 0 : index
      %get3A_1027 = vector.load %arg5[%get3A_1022, %get3A_1023, %get3A_1024, %get3A_1025, %get3A_1026] : memref<1x4096x1x1x64xf32, #tpu.memory_space<vmem>>, vector<1x64x1x1x64xf32>
      %get3A_1028 = vector.shape_cast %get3A_1027 : vector<1x64x1x1x64xf32> to vector<64x64xf32>
      %dot_general3A_1029 = arith.constant dense<0.000000e+00> : vector<64x64xf32>
      %dot_general3A_1030 = tpu.matmul %slice3A_1019, %get3A_1028, %dot_general3A_1029 {dimension_numbers = #tpu.dot_dimension_numbers<[1], [0], [0], [1], [0, 0, 1, 1], [], []>, transpose_lhs_hint = false} : vector<64x64xf32>, vector<64x64xf32>, vector<64x64xf32> -> vector<64x64xf32>
      %add3A_1031 = arith.addf %add3A_1018, %dot_general3A_1030 : vector<64x64xf32>
      %slice3A_1032 = vector.extract_strided_slice %div3A_995 {offsets = [0, 320], sizes = [64, 64], strides = [1, 1]} : vector<64x384xf32> to vector<64x64xf32>
      %mul3A_1033 = arith.constant 64 : i32
      %mul3A_1034 = arith.muli %get3A_938, %mul3A_1033 : i32
      %get3A_1035 = arith.constant 0 : index
      %get3A_1036 = arith.index_cast %mul3A_1034 : i32 to index
      %get3A_1037 = arith.constant 0 : index
      %get3A_1038 = arith.constant 0 : index
      %get3A_1039 = arith.constant 0 : index
      %get3A_1040 = vector.load %arg5[%get3A_1035, %get3A_1036, %get3A_1037, %get3A_1038, %get3A_1039] : memref<1x4096x1x1x64xf32, #tpu.memory_space<vmem>>, vector<1x64x1x1x64xf32>
      %get3A_1041 = vector.shape_cast %get3A_1040 : vector<1x64x1x1x64xf32> to vector<64x64xf32>
      %dot_general3A_1042 = arith.constant dense<0.000000e+00> : vector<64x64xf32>
      %dot_general3A_1043 = tpu.matmul %slice3A_1032, %get3A_1041, %dot_general3A_1042 {dimension_numbers = #tpu.dot_dimension_numbers<[1], [0], [0], [1], [0, 0, 1, 1], [], []>, transpose_lhs_hint = false} : vector<64x64xf32>, vector<64x64xf32>, vector<64x64xf32> -> vector<64x64xf32>
      %add3A_1044 = arith.addf %add3A_1031, %dot_general3A_1043 : vector<64x64xf32>
      %mul3A_1045 = arith.constant 64 : i32
      %mul3A_1046 = arith.muli %scan3A_902, %mul3A_1045 : i32
      %swap3A_1047 = arith.constant 0 : index
      %swap3A_1048 = arith.index_cast %mul3A_1046 : i32 to index
      %swap3A_1049 = arith.constant 0 : index
      %swap3A_1050 = arith.constant 0 : index
      %swap3A_1051 = arith.constant 0 : index
      %swap3A_1052 = vector.load %arg6[%swap3A_1047, %swap3A_1048, %swap3A_1049, %swap3A_1050, %swap3A_1051] : memref<1x4096x1x1x64xf32, #tpu.memory_space<vmem>>, vector<1x64x1x1x64xf32>
      %swap3A_1053 = vector.shape_cast %swap3A_1052 : vector<1x64x1x1x64xf32> to vector<64x64xf32>
      %swap3A_1054 = vector.shape_cast %add3A_1044 : vector<64x64xf32> to vector<1x64x1x1x64xf32>
      tpu.vector_store %arg6[%swap3A_1047, %swap3A_1048, %swap3A_1049, %swap3A_1050, %swap3A_1051], %swap3A_1054 {strides = array<i32>} : memref<1x4096x1x1x64xf32, #tpu.memory_space<vmem>>, vector<1x64x1x1x64xf32>,
      %scan3A_1055 = arith.constant 3 : i32
      %scan3A_1056 = arith.addi %scan3A_594, %scan3A_1055 : i32
      %mul3A_1057 = arith.constant 64 : i32
      %mul3A_1058 = arith.muli %scan3A_1056, %mul3A_1057 : i32
      %get3A_1059 = arith.constant 0 : index
      %get3A_1060 = arith.index_cast %mul3A_1058 : i32 to index
      %get3A_1061 = arith.constant 0 : index
      %get3A_1062 = arith.constant 0 : index
      %get3A_1063 = arith.constant 0 : index
      %get3A_1064 = vector.load %arg3[%get3A_1059, %get3A_1060, %get3A_1061, %get3A_1062, %get3A_1063] : memref<1x4096x1x1x64xf32, #tpu.memory_space<vmem>>, vector<1x64x1x1x64xf32>
      %get3A_1065 = vector.shape_cast %get3A_1064 : vector<1x64x1x1x64xf32> to vector<64x64xf32>
      %sub3A_1066 = arith.constant 1 : i32
      %sub3A_1067 = arith.subi %scan3A_1056, %sub3A_1066 : i32
      %max3A_1068 = arith.constant 0 : i32
      %max3A_1069 = arith.maxsi %sub3A_1067, %max3A_1068 : i32
      %min3A_1070 = arith.constant 61 : i32
      %min3A_1071 = arith.minsi %max3A_1069, %min3A_1070 : i32
      %mul3A_1072 = arith.constant 64 : i32
      %mul3A_1073 = arith.muli %min3A_1071, %mul3A_1072 : i32
      %mul3A_1074 = arith.constant 3 : i32
      %mul3A_1075 = arith.muli %scan3A_1056, %mul3A_1074 : i32
      %add3A_1076 = arith.addi %mul3A_4, %mul3A_1075 : i32
      %get3A_1077 = arith.index_cast %add3A_1076 : i32 to index
      %get3A_1078 = memref.load %arg2[%get3A_1077] : memref<6144xi32, #tpu.memory_space<smem>>
      %mul3A_1079 = arith.constant 3 : i32
      %mul3A_1080 = arith.muli %scan3A_1056, %mul3A_1079 : i32
      %add3A_1081 = arith.addi %mul3A_4, %mul3A_1080 : i32
      %add3A_1082 = arith.constant 1 : i32
      %add3A_1083 = arith.addi %add3A_1081, %add3A_1082 : i32
      %get3A_1084 = arith.index_cast %add3A_1083 : i32 to index
      %get3A_1085 = memref.load %arg2[%get3A_1084] : memref<6144xi32, #tpu.memory_space<smem>>
      %mul3A_1086 = arith.constant 3 : i32
      %mul3A_1087 = arith.muli %scan3A_1056, %mul3A_1086 : i32
      %add3A_1088 = arith.addi %mul3A_4, %mul3A_1087 : i32
      %add3A_1089 = arith.constant 2 : i32
      %add3A_1090 = arith.addi %add3A_1088, %add3A_1089 : i32
      %get3A_1091 = arith.index_cast %add3A_1090 : i32 to index
      %get3A_1092 = memref.load %arg2[%get3A_1091] : memref<6144xi32, #tpu.memory_space<smem>>
      %get3A_1093 = arith.constant 0 : index
      %get3A_1094 = arith.index_cast %mul3A_1073 : i32 to index
      %get3A_1095 = arith.constant 0 : index
      %get3A_1096 = arith.constant 0 : index
      %get3A_1097 = arith.constant 0 : index
      %get3A_1098 = vector.load %arg4[%get3A_1093, %get3A_1094, %get3A_1095, %get3A_1096, %get3A_1097] : memref<1x4096x1x1x64xf32, #tpu.memory_space<vmem>>, vector<1x192x1x1x64xf32>
      %get3A_1099 = vector.shape_cast %get3A_1098 : vector<1x192x1x1x64xf32> to vector<192x64xf32>
      %dot_general3A_1100 = arith.constant dense<0.000000e+00> : vector<64x192xf32>
      %dot_general3A_1101 = tpu.matmul %get3A_1065, %get3A_1099, %dot_general3A_1100 {dimension_numbers = #tpu.dot_dimension_numbers<[1], [1], [0], [0], [0, 0, 1, 0], [], []>, transpose_lhs_hint = false} : vector<64x64xf32>, vector<192x64xf32>, vector<64x192xf32> -> vector<64x192xf32>
      %mul3A_1102 = arith.constant 64 : i32
      %mul3A_1103 = arith.muli %get3A_1078, %mul3A_1102 : i32
      %get3A_1104 = arith.constant 0 : index
      %get3A_1105 = arith.index_cast %mul3A_1103 : i32 to index
      %get3A_1106 = arith.constant 0 : index
      %get3A_1107 = arith.constant 0 : index
      %get3A_1108 = arith.constant 0 : index
      %get3A_1109 = vector.load %arg4[%get3A_1104, %get3A_1105, %get3A_1106, %get3A_1107, %get3A_1108] : memref<1x4096x1x1x64xf32, #tpu.memory_space<vmem>>, vector<1x64x1x1x64xf32>
      %get3A_1110 = vector.shape_cast %get3A_1109 : vector<1x64x1x1x64xf32> to vector<64x64xf32>
      %dot_general3A_1111 = arith.constant dense<0.000000e+00> : vector<64x64xf32>
      %dot_general3A_1112 = tpu.matmul %get3A_1065, %get3A_1110, %dot_general3A_1111 {dimension_numbers = #tpu.dot_dimension_numbers<[1], [1], [0], [0], [0, 0, 1, 0], [], []>, transpose_lhs_hint = false} : vector<64x64xf32>, vector<64x64xf32>, vector<64x64xf32> -> vector<64x64xf32>
      %mul3A_1113 = arith.constant 64 : i32
      %mul3A_1114 = arith.muli %get3A_1085, %mul3A_1113 : i32
      %get3A_1115 = arith.constant 0 : index
      %get3A_1116 = arith.index_cast %mul3A_1114 : i32 to index
      %get3A_1117 = arith.constant 0 : index
      %get3A_1118 = arith.constant 0 : index
      %get3A_1119 = arith.constant 0 : index
      %get3A_1120 = vector.load %arg4[%get3A_1115, %get3A_1116, %get3A_1117, %get3A_1118, %get3A_1119] : memref<1x4096x1x1x64xf32, #tpu.memory_space<vmem>>, vector<1x64x1x1x64xf32>
      %get3A_1121 = vector.shape_cast %get3A_1120 : vector<1x64x1x1x64xf32> to vector<64x64xf32>
      %dot_general3A_1122 = arith.constant dense<0.000000e+00> : vector<64x64xf32>
      %dot_general3A_1123 = tpu.matmul %get3A_1065, %get3A_1121, %dot_general3A_1122 {dimension_numbers = #tpu.dot_dimension_numbers<[1], [1], [0], [0], [0, 0, 1, 0], [], []>, transpose_lhs_hint = false} : vector<64x64xf32>, vector<64x64xf32>, vector<64x64xf32> -> vector<64x64xf32>
      %mul3A_1124 = arith.constant 64 : i32
      %mul3A_1125 = arith.muli %get3A_1092, %mul3A_1124 : i32
      %get3A_1126 = arith.constant 0 : index
      %get3A_1127 = arith.index_cast %mul3A_1125 : i32 to index
      %get3A_1128 = arith.constant 0 : index
      %get3A_1129 = arith.constant 0 : index
      %get3A_1130 = arith.constant 0 : index
      %get3A_1131 = vector.load %arg4[%get3A_1126, %get3A_1127, %get3A_1128, %get3A_1129, %get3A_1130] : memref<1x4096x1x1x64xf32, #tpu.memory_space<vmem>>, vector<1x64x1x1x64xf32>
      %get3A_1132 = vector.shape_cast %get3A_1131 : vector<1x64x1x1x64xf32> to vector<64x64xf32>
      %dot_general3A_1133 = arith.constant dense<0.000000e+00> : vector<64x64xf32>
      %dot_general3A_1134 = tpu.matmul %get3A_1065, %get3A_1132, %dot_general3A_1133 {dimension_numbers = #tpu.dot_dimension_numbers<[1], [1], [0], [0], [0, 0, 1, 0], [], []>, transpose_lhs_hint = false} : vector<64x64xf32>, vector<64x64xf32>, vector<64x64xf32> -> vector<64x64xf32>
      %concatenate3A_1135 = tpu.concatenate %dot_general3A_1101, %dot_general3A_1112, %dot_general3A_1123, %dot_general3A_1134 in 1 : vector<64x192xf32>, vector<64x64xf32>, vector<64x64xf32>, vector<64x64xf32> -> vector<64x384xf32>
      %reduce_max3A_1136 = arith.constant dense<0xFF800000> : vector<64xf32>
      %reduce_max3A_1137 = vector.multi_reduction <maximumf>, %concatenate3A_1135, %reduce_max3A_1136 [1] : vector<64x384xf32> to vector<64xf32>
      %max3A_1138 = arith.constant 0xFF800000 : f32
      %max3A_1139 = vector.broadcast %max3A_1138 : f32 to vector<64xf32>
      %max3A_1140 = arith.maximumf %max3A_1139, %reduce_max3A_1137 : vector<64xf32>
      %broadcast_in_dim3A_1141 = vector.shape_cast %max3A_1140 : vector<64xf32> to vector<64x1xf32>
      %sub3A_1142 = vector.broadcast %broadcast_in_dim3A_1141 : vector<64x1xf32> to vector<64x384xf32>
      %sub3A_1143 = arith.subf %concatenate3A_1135, %sub3A_1142 : vector<64x384xf32>
      %exp3A_1144 = math.exp %sub3A_1143 : vector<64x384xf32>
      %reduce_sum3A_1145 = arith.constant dense<0.000000e+00> : vector<64xf32>
      %reduce_sum3A_1146 = vector.multi_reduction <add>, %exp3A_1144, %reduce_sum3A_1145 [1] : vector<64x384xf32> to vector<64xf32>
      %broadcast_in_dim3A_1147 = vector.shape_cast %reduce_sum3A_1146 : vector<64xf32> to vector<64x1xf32>
      %div3A_1148 = vector.broadcast %broadcast_in_dim3A_1147 : vector<64x1xf32> to vector<64x384xf32>
      %div3A_1149 = arith.divf %exp3A_1144, %div3A_1148 : vector<64x384xf32>
      %slice3A_1150 = vector.extract_strided_slice %div3A_1149 {offsets = [0, 0], sizes = [64, 192], strides = [1, 1]} : vector<64x384xf32> to vector<64x192xf32>
      %get3A_1151 = arith.constant 0 : index
      %get3A_1152 = arith.index_cast %mul3A_1073 : i32 to index
      %get3A_1153 = arith.constant 0 : index
      %get3A_1154 = arith.constant 0 : index
      %get3A_1155 = arith.constant 0 : index
      %get3A_1156 = vector.load %arg5[%get3A_1151, %get3A_1152, %get3A_1153, %get3A_1154, %get3A_1155] : memref<1x4096x1x1x64xf32, #tpu.memory_space<vmem>>, vector<1x192x1x1x64xf32>
      %get3A_1157 = vector.shape_cast %get3A_1156 : vector<1x192x1x1x64xf32> to vector<192x64xf32>
      %dot_general3A_1158 = arith.constant dense<0.000000e+00> : vector<64x64xf32>
      %dot_general3A_1159 = tpu.matmul %slice3A_1150, %get3A_1157, %dot_general3A_1158 {dimension_numbers = #tpu.dot_dimension_numbers<[1], [0], [0], [1], [0, 0, 1, 1], [], []>, transpose_lhs_hint = false} : vector<64x192xf32>, vector<192x64xf32>, vector<64x64xf32> -> vector<64x64xf32>
      %slice3A_1160 = vector.extract_strided_slice %div3A_1149 {offsets = [0, 192], sizes = [64, 64], strides = [1, 1]} : vector<64x384xf32> to vector<64x64xf32>
      %mul3A_1161 = arith.constant 64 : i32
      %mul3A_1162 = arith.muli %get3A_1078, %mul3A_1161 : i32
      %get3A_1163 = arith.constant 0 : index
      %get3A_1164 = arith.index_cast %mul3A_1162 : i32 to index
      %get3A_1165 = arith.constant 0 : index
      %get3A_1166 = arith.constant 0 : index
      %get3A_1167 = arith.constant 0 : index
      %get3A_1168 = vector.load %arg5[%get3A_1163, %get3A_1164, %get3A_1165, %get3A_1166, %get3A_1167] : memref<1x4096x1x1x64xf32, #tpu.memory_space<vmem>>, vector<1x64x1x1x64xf32>
      %get3A_1169 = vector.shape_cast %get3A_1168 : vector<1x64x1x1x64xf32> to vector<64x64xf32>
      %dot_general3A_1170 = arith.constant dense<0.000000e+00> : vector<64x64xf32>
      %dot_general3A_1171 = tpu.matmul %slice3A_1160, %get3A_1169, %dot_general3A_1170 {dimension_numbers = #tpu.dot_dimension_numbers<[1], [0], [0], [1], [0, 0, 1, 1], [], []>, transpose_lhs_hint = false} : vector<64x64xf32>, vector<64x64xf32>, vector<64x64xf32> -> vector<64x64xf32>
      %add3A_1172 = arith.addf %dot_general3A_1159, %dot_general3A_1171 : vector<64x64xf32>
      %slice3A_1173 = vector.extract_strided_slice %div3A_1149 {offsets = [0, 256], sizes = [64, 64], strides = [1, 1]} : vector<64x384xf32> to vector<64x64xf32>
      %mul3A_1174 = arith.constant 64 : i32
      %mul3A_1175 = arith.muli %get3A_1085, %mul3A_1174 : i32
      %get3A_1176 = arith.constant 0 : index
      %get3A_1177 = arith.index_cast %mul3A_1175 : i32 to index
      %get3A_1178 = arith.constant 0 : index
      %get3A_1179 = arith.constant 0 : index
      %get3A_1180 = arith.constant 0 : index
      %get3A_1181 = vector.load %arg5[%get3A_1176, %get3A_1177, %get3A_1178, %get3A_1179, %get3A_1180] : memref<1x4096x1x1x64xf32, #tpu.memory_space<vmem>>, vector<1x64x1x1x64xf32>
      %get3A_1182 = vector.shape_cast %get3A_1181 : vector<1x64x1x1x64xf32> to vector<64x64xf32>
      %dot_general3A_1183 = arith.constant dense<0.000000e+00> : vector<64x64xf32>
      %dot_general3A_1184 = tpu.matmul %slice3A_1173, %get3A_1182, %dot_general3A_1183 {dimension_numbers = #tpu.dot_dimension_numbers<[1], [0], [0], [1], [0, 0, 1, 1], [], []>, transpose_lhs_hint = false} : vector<64x64xf32>, vector<64x64xf32>, vector<64x64xf32> -> vector<64x64xf32>
      %add3A_1185 = arith.addf %add3A_1172, %dot_general3A_1184 : vector<64x64xf32>
      %slice3A_1186 = vector.extract_strided_slice %div3A_1149 {offsets = [0, 320], sizes = [64, 64], strides = [1, 1]} : vector<64x384xf32> to vector<64x64xf32>
      %mul3A_1187 = arith.constant 64 : i32
      %mul3A_1188 = arith.muli %get3A_1092, %mul3A_1187 : i32
      %get3A_1189 = arith.constant 0 : index
      %get3A_1190 = arith.index_cast %mul3A_1188 : i32 to index
      %get3A_1191 = arith.constant 0 : index
      %get3A_1192 = arith.constant 0 : index
      %get3A_1193 = arith.constant 0 : index
      %get3A_1194 = vector.load %arg5[%get3A_1189, %get3A_1190, %get3A_1191, %get3A_1192, %get3A_1193] : memref<1x4096x1x1x64xf32, #tpu.memory_space<vmem>>, vector<1x64x1x1x64xf32>
      %get3A_1195 = vector.shape_cast %get3A_1194 : vector<1x64x1x1x64xf32> to vector<64x64xf32>
      %dot_general3A_1196 = arith.constant dense<0.000000e+00> : vector<64x64xf32>
      %dot_general3A_1197 = tpu.matmul %slice3A_1186, %get3A_1195, %dot_general3A_1196 {dimension_numbers = #tpu.dot_dimension_numbers<[1], [0], [0], [1], [0, 0, 1, 1], [], []>, transpose_lhs_hint = false} : vector<64x64xf32>, vector<64x64xf32>, vector<64x64xf32> -> vector<64x64xf32>
      %add3A_1198 = arith.addf %add3A_1185, %dot_general3A_1197 : vector<64x64xf32>
      %mul3A_1199 = arith.constant 64 : i32
      %mul3A_1200 = arith.muli %scan3A_1056, %mul3A_1199 : i32
      %swap3A_1201 = arith.constant 0 : index
      %swap3A_1202 = arith.index_cast %mul3A_1200 : i32 to index
      %swap3A_1203 = arith.constant 0 : index
      %swap3A_1204 = arith.constant 0 : index
      %swap3A_1205 = arith.constant 0 : index
      %swap3A_1206 = vector.load %arg6[%swap3A_1201, %swap3A_1202, %swap3A_1203, %swap3A_1204, %swap3A_1205] : memref<1x4096x1x1x64xf32, #tpu.memory_space<vmem>>, vector<1x64x1x1x64xf32>
      %swap3A_1207 = vector.shape_cast %swap3A_1206 : vector<1x64x1x1x64xf32> to vector<64x64xf32>
      %swap3A_1208 = vector.shape_cast %add3A_1198 : vector<64x64xf32> to vector<1x64x1x1x64xf32>
      tpu.vector_store %arg6[%swap3A_1201, %swap3A_1202, %swap3A_1203, %swap3A_1204, %swap3A_1205], %swap3A_1208 {strides = array<i32>} : memref<1x4096x1x1x64xf32, #tpu.memory_space<vmem>>, vector<1x64x1x1x64xf32>,
    }
    %scan3A_138 = arith.constant 60 : i32
    %scan3A_139 = arith.addi %scan3A, %scan3A_138 : i32
    %mul3A_140 = arith.constant 64 : i32
    %mul3A_141 = arith.muli %scan3A_139, %mul3A_140 : i32
    %get3A_142 = arith.constant 0 : index
    %get3A_143 = arith.index_cast %mul3A_141 : i32 to index
    %get3A_144 = arith.constant 0 : index
    %get3A_145 = arith.constant 0 : index
    %get3A_146 = arith.constant 0 : index
    %get3A_147 = vector.load %arg3[%get3A_142, %get3A_143, %get3A_144, %get3A_145, %get3A_146] : memref<1x4096x1x1x64xf32, #tpu.memory_space<vmem>>, vector<1x64x1x1x64xf32>
    %get3A_148 = vector.shape_cast %get3A_147 : vector<1x64x1x1x64xf32> to vector<64x64xf32>
    %sub3A_149 = arith.constant 1 : i32
    %sub3A_150 = arith.subi %scan3A_139, %sub3A_149 : i32
    %max3A_151 = arith.constant 0 : i32
    %max3A_152 = arith.maxsi %sub3A_150, %max3A_151 : i32
    %min3A = arith.constant 61 : i32
    %min3A_153 = arith.minsi %max3A_152, %min3A : i32
    %mul3A_154 = arith.constant 64 : i32
    %mul3A_155 = arith.muli %min3A_153, %mul3A_154 : i32
    %mul3A_156 = arith.constant 3 : i32
    %mul3A_157 = arith.muli %scan3A_139, %mul3A_156 : i32
    %add3A_158 = arith.addi %mul3A_4, %mul3A_157 : i32
    %get3A_159 = arith.index_cast %add3A_158 : i32 to index
    %get3A_160 = memref.load %arg2[%get3A_159] : memref<6144xi32, #tpu.memory_space<smem>>
    %mul3A_161 = arith.constant 3 : i32
    %mul3A_162 = arith.muli %scan3A_139, %mul3A_161 : i32
    %add3A_163 = arith.addi %mul3A_4, %mul3A_162 : i32
    %add3A_164 = arith.constant 1 : i32
    %add3A_165 = arith.addi %add3A_163, %add3A_164 : i32
    %get3A_166 = arith.index_cast %add3A_165 : i32 to index
    %get3A_167 = memref.load %arg2[%get3A_166] : memref<6144xi32, #tpu.memory_space<smem>>
    %mul3A_168 = arith.constant 3 : i32
    %mul3A_169 = arith.muli %scan3A_139, %mul3A_168 : i32
    %add3A_170 = arith.addi %mul3A_4, %mul3A_169 : i32
    %add3A_171 = arith.constant 2 : i32
    %add3A_172 = arith.addi %add3A_170, %add3A_171 : i32
    %get3A_173 = arith.index_cast %add3A_172 : i32 to index
    %get3A_174 = memref.load %arg2[%get3A_173] : memref<6144xi32, #tpu.memory_space<smem>>
    %get3A_175 = arith.constant 0 : index
    %get3A_176 = arith.index_cast %mul3A_155 : i32 to index
    %get3A_177 = arith.constant 0 : index
    %get3A_178 = arith.constant 0 : index
    %get3A_179 = arith.constant 0 : index
    %get3A_180 = vector.load %arg4[%get3A_175, %get3A_176, %get3A_177, %get3A_178, %get3A_179] : memref<1x4096x1x1x64xf32, #tpu.memory_space<vmem>>, vector<1x192x1x1x64xf32>
    %get3A_181 = vector.shape_cast %get3A_180 : vector<1x192x1x1x64xf32> to vector<192x64xf32>
    %dot_general3A_182 = arith.constant dense<0.000000e+00> : vector<64x192xf32>
    %dot_general3A_183 = tpu.matmul %get3A_148, %get3A_181, %dot_general3A_182 {dimension_numbers = #tpu.dot_dimension_numbers<[1], [1], [0], [0], [0, 0, 1, 0], [], []>, transpose_lhs_hint = false} : vector<64x64xf32>, vector<192x64xf32>, vector<64x192xf32> -> vector<64x192xf32>
    %mul3A_184 = arith.constant 64 : i32
    %mul3A_185 = arith.muli %get3A_160, %mul3A_184 : i32
    %get3A_186 = arith.constant 0 : index
    %get3A_187 = arith.index_cast %mul3A_185 : i32 to index
    %get3A_188 = arith.constant 0 : index
    %get3A_189 = arith.constant 0 : index
    %get3A_190 = arith.constant 0 : index
    %get3A_191 = vector.load %arg4[%get3A_186, %get3A_187, %get3A_188, %get3A_189, %get3A_190] : memref<1x4096x1x1x64xf32, #tpu.memory_space<vmem>>, vector<1x64x1x1x64xf32>
    %get3A_192 = vector.shape_cast %get3A_191 : vector<1x64x1x1x64xf32> to vector<64x64xf32>
    %dot_general3A_193 = arith.constant dense<0.000000e+00> : vector<64x64xf32>
    %dot_general3A_194 = tpu.matmul %get3A_148, %get3A_192, %dot_general3A_193 {dimension_numbers = #tpu.dot_dimension_numbers<[1], [1], [0], [0], [0, 0, 1, 0], [], []>, transpose_lhs_hint = false} : vector<64x64xf32>, vector<64x64xf32>, vector<64x64xf32> -> vector<64x64xf32>
    %mul3A_195 = arith.constant 64 : i32
    %mul3A_196 = arith.muli %get3A_167, %mul3A_195 : i32
    %get3A_197 = arith.constant 0 : index
    %get3A_198 = arith.index_cast %mul3A_196 : i32 to index
    %get3A_199 = arith.constant 0 : index
    %get3A_200 = arith.constant 0 : index
    %get3A_201 = arith.constant 0 : index
    %get3A_202 = vector.load %arg4[%get3A_197, %get3A_198, %get3A_199, %get3A_200, %get3A_201] : memref<1x4096x1x1x64xf32, #tpu.memory_space<vmem>>, vector<1x64x1x1x64xf32>
    %get3A_203 = vector.shape_cast %get3A_202 : vector<1x64x1x1x64xf32> to vector<64x64xf32>
    %dot_general3A_204 = arith.constant dense<0.000000e+00> : vector<64x64xf32>
    %dot_general3A_205 = tpu.matmul %get3A_148, %get3A_203, %dot_general3A_204 {dimension_numbers = #tpu.dot_dimension_numbers<[1], [1], [0], [0], [0, 0, 1, 0], [], []>, transpose_lhs_hint = false} : vector<64x64xf32>, vector<64x64xf32>, vector<64x64xf32> -> vector<64x64xf32>
    %mul3A_206 = arith.constant 64 : i32
    %mul3A_207 = arith.muli %get3A_174, %mul3A_206 : i32
    %get3A_208 = arith.constant 0 : index
    %get3A_209 = arith.index_cast %mul3A_207 : i32 to index
    %get3A_210 = arith.constant 0 : index
    %get3A_211 = arith.constant 0 : index
    %get3A_212 = arith.constant 0 : index
    %get3A_213 = vector.load %arg4[%get3A_208, %get3A_209, %get3A_210, %get3A_211, %get3A_212] : memref<1x4096x1x1x64xf32, #tpu.memory_space<vmem>>, vector<1x64x1x1x64xf32>
    %get3A_214 = vector.shape_cast %get3A_213 : vector<1x64x1x1x64xf32> to vector<64x64xf32>
    %dot_general3A_215 = arith.constant dense<0.000000e+00> : vector<64x64xf32>
    %dot_general3A_216 = tpu.matmul %get3A_148, %get3A_214, %dot_general3A_215 {dimension_numbers = #tpu.dot_dimension_numbers<[1], [1], [0], [0], [0, 0, 1, 0], [], []>, transpose_lhs_hint = false} : vector<64x64xf32>, vector<64x64xf32>, vector<64x64xf32> -> vector<64x64xf32>
    %concatenate3A_217 = tpu.concatenate %dot_general3A_183, %dot_general3A_194, %dot_general3A_205, %dot_general3A_216 in 1 : vector<64x192xf32>, vector<64x64xf32>, vector<64x64xf32>, vector<64x64xf32> -> vector<64x384xf32>
    %reduce_max3A_218 = arith.constant dense<0xFF800000> : vector<64xf32>
    %reduce_max3A_219 = vector.multi_reduction <maximumf>, %concatenate3A_217, %reduce_max3A_218 [1] : vector<64x384xf32> to vector<64xf32>
    %max3A_220 = arith.constant 0xFF800000 : f32
    %max3A_221 = vector.broadcast %max3A_220 : f32 to vector<64xf32>
    %max3A_222 = arith.maximumf %max3A_221, %reduce_max3A_219 : vector<64xf32>
    %broadcast_in_dim3A_223 = vector.shape_cast %max3A_222 : vector<64xf32> to vector<64x1xf32>
    %sub3A_224 = vector.broadcast %broadcast_in_dim3A_223 : vector<64x1xf32> to vector<64x384xf32>
    %sub3A_225 = arith.subf %concatenate3A_217, %sub3A_224 : vector<64x384xf32>
    %exp3A_226 = math.exp %sub3A_225 : vector<64x384xf32>
    %reduce_sum3A_227 = arith.constant dense<0.000000e+00> : vector<64xf32>
    %reduce_sum3A_228 = vector.multi_reduction <add>, %exp3A_226, %reduce_sum3A_227 [1] : vector<64x384xf32> to vector<64xf32>
    %broadcast_in_dim3A_229 = vector.shape_cast %reduce_sum3A_228 : vector<64xf32> to vector<64x1xf32>
    %div3A_230 = vector.broadcast %broadcast_in_dim3A_229 : vector<64x1xf32> to vector<64x384xf32>
    %div3A_231 = arith.divf %exp3A_226, %div3A_230 : vector<64x384xf32>
    %slice3A_232 = vector.extract_strided_slice %div3A_231 {offsets = [0, 0], sizes = [64, 192], strides = [1, 1]} : vector<64x384xf32> to vector<64x192xf32>
    %get3A_233 = arith.constant 0 : index
    %get3A_234 = arith.index_cast %mul3A_155 : i32 to index
    %get3A_235 = arith.constant 0 : index
    %get3A_236 = arith.constant 0 : index
    %get3A_237 = arith.constant 0 : index
    %get3A_238 = vector.load %arg5[%get3A_233, %get3A_234, %get3A_235, %get3A_236, %get3A_237] : memref<1x4096x1x1x64xf32, #tpu.memory_space<vmem>>, vector<1x192x1x1x64xf32>
    %get3A_239 = vector.shape_cast %get3A_238 : vector<1x192x1x1x64xf32> to vector<192x64xf32>
    %dot_general3A_240 = arith.constant dense<0.000000e+00> : vector<64x64xf32>
    %dot_general3A_241 = tpu.matmul %slice3A_232, %get3A_239, %dot_general3A_240 {dimension_numbers = #tpu.dot_dimension_numbers<[1], [0], [0], [1], [0, 0, 1, 1], [], []>, transpose_lhs_hint = false} : vector<64x192xf32>, vector<192x64xf32>, vector<64x64xf32> -> vector<64x64xf32>
    %slice3A_242 = vector.extract_strided_slice %div3A_231 {offsets = [0, 192], sizes = [64, 64], strides = [1, 1]} : vector<64x384xf32> to vector<64x64xf32>
    %mul3A_243 = arith.constant 64 : i32
    %mul3A_244 = arith.muli %get3A_160, %mul3A_243 : i32
    %get3A_245 = arith.constant 0 : index
    %get3A_246 = arith.index_cast %mul3A_244 : i32 to index
    %get3A_247 = arith.constant 0 : index
    %get3A_248 = arith.constant 0 : index
    %get3A_249 = arith.constant 0 : index
    %get3A_250 = vector.load %arg5[%get3A_245, %get3A_246, %get3A_247, %get3A_248, %get3A_249] : memref<1x4096x1x1x64xf32, #tpu.memory_space<vmem>>, vector<1x64x1x1x64xf32>
    %get3A_251 = vector.shape_cast %get3A_250 : vector<1x64x1x1x64xf32> to vector<64x64xf32>
    %dot_general3A_252 = arith.constant dense<0.000000e+00> : vector<64x64xf32>
    %dot_general3A_253 = tpu.matmul %slice3A_242, %get3A_251, %dot_general3A_252 {dimension_numbers = #tpu.dot_dimension_numbers<[1], [0], [0], [1], [0, 0, 1, 1], [], []>, transpose_lhs_hint = false} : vector<64x64xf32>, vector<64x64xf32>, vector<64x64xf32> -> vector<64x64xf32>
    %add3A_254 = arith.addf %dot_general3A_241, %dot_general3A_253 : vector<64x64xf32>
    %slice3A_255 = vector.extract_strided_slice %div3A_231 {offsets = [0, 256], sizes = [64, 64], strides = [1, 1]} : vector<64x384xf32> to vector<64x64xf32>
    %mul3A_256 = arith.constant 64 : i32
    %mul3A_257 = arith.muli %get3A_167, %mul3A_256 : i32
    %get3A_258 = arith.constant 0 : index
    %get3A_259 = arith.index_cast %mul3A_257 : i32 to index
    %get3A_260 = arith.constant 0 : index
    %get3A_261 = arith.constant 0 : index
    %get3A_262 = arith.constant 0 : index
    %get3A_263 = vector.load %arg5[%get3A_258, %get3A_259, %get3A_260, %get3A_261, %get3A_262] : memref<1x4096x1x1x64xf32, #tpu.memory_space<vmem>>, vector<1x64x1x1x64xf32>
    %get3A_264 = vector.shape_cast %get3A_263 : vector<1x64x1x1x64xf32> to vector<64x64xf32>
    %dot_general3A_265 = arith.constant dense<0.000000e+00> : vector<64x64xf32>
    %dot_general3A_266 = tpu.matmul %slice3A_255, %get3A_264, %dot_general3A_265 {dimension_numbers = #tpu.dot_dimension_numbers<[1], [0], [0], [1], [0, 0, 1, 1], [], []>, transpose_lhs_hint = false} : vector<64x64xf32>, vector<64x64xf32>, vector<64x64xf32> -> vector<64x64xf32>
    %add3A_267 = arith.addf %add3A_254, %dot_general3A_266 : vector<64x64xf32>
    %slice3A_268 = vector.extract_strided_slice %div3A_231 {offsets = [0, 320], sizes = [64, 64], strides = [1, 1]} : vector<64x384xf32> to vector<64x64xf32>
    %mul3A_269 = arith.constant 64 : i32
    %mul3A_270 = arith.muli %get3A_174, %mul3A_269 : i32
    %get3A_271 = arith.constant 0 : index
    %get3A_272 = arith.index_cast %mul3A_270 : i32 to index
    %get3A_273 = arith.constant 0 : index
    %get3A_274 = arith.constant 0 : index
    %get3A_275 = arith.constant 0 : index
    %get3A_276 = vector.load %arg5[%get3A_271, %get3A_272, %get3A_273, %get3A_274, %get3A_275] : memref<1x4096x1x1x64xf32, #tpu.memory_space<vmem>>, vector<1x64x1x1x64xf32>
    %get3A_277 = vector.shape_cast %get3A_276 : vector<1x64x1x1x64xf32> to vector<64x64xf32>
    %dot_general3A_278 = arith.constant dense<0.000000e+00> : vector<64x64xf32>
    %dot_general3A_279 = tpu.matmul %slice3A_268, %get3A_277, %dot_general3A_278 {dimension_numbers = #tpu.dot_dimension_numbers<[1], [0], [0], [1], [0, 0, 1, 1], [], []>, transpose_lhs_hint = false} : vector<64x64xf32>, vector<64x64xf32>, vector<64x64xf32> -> vector<64x64xf32>
    %add3A_280 = arith.addf %add3A_267, %dot_general3A_279 : vector<64x64xf32>
    %mul3A_281 = arith.constant 64 : i32
    %mul3A_282 = arith.muli %scan3A_139, %mul3A_281 : i32
    %swap3A_283 = arith.constant 0 : index
    %swap3A_284 = arith.index_cast %mul3A_282 : i32 to index
    %swap3A_285 = arith.constant 0 : index
    %swap3A_286 = arith.constant 0 : index
    %swap3A_287 = arith.constant 0 : index
    %swap3A_288 = vector.load %arg6[%swap3A_283, %swap3A_284, %swap3A_285, %swap3A_286, %swap3A_287] : memref<1x4096x1x1x64xf32, #tpu.memory_space<vmem>>, vector<1x64x1x1x64xf32>
    %swap3A_289 = vector.shape_cast %swap3A_288 : vector<1x64x1x1x64xf32> to vector<64x64xf32>
    %swap3A_290 = vector.shape_cast %add3A_280 : vector<64x64xf32> to vector<1x64x1x1x64xf32>
    tpu.vector_store %arg6[%swap3A_283, %swap3A_284, %swap3A_285, %swap3A_286, %swap3A_287], %swap3A_290 {strides = array<i32>} : memref<1x4096x1x1x64xf32, #tpu.memory_space<vmem>>, vector<1x64x1x1x64xf32>,
    %scan3A_291 = arith.constant 61 : i32
    %scan3A_292 = arith.addi %scan3A, %scan3A_291 : i32
    %mul3A_293 = arith.constant 64 : i32
    %mul3A_294 = arith.muli %scan3A_292, %mul3A_293 : i32
    %get3A_295 = arith.constant 0 : index
    %get3A_296 = arith.index_cast %mul3A_294 : i32 to index
    %get3A_297 = arith.constant 0 : index
    %get3A_298 = arith.constant 0 : index
    %get3A_299 = arith.constant 0 : index
    %get3A_300 = vector.load %arg3[%get3A_295, %get3A_296, %get3A_297, %get3A_298, %get3A_299] : memref<1x4096x1x1x64xf32, #tpu.memory_space<vmem>>, vector<1x64x1x1x64xf32>
    %get3A_301 = vector.shape_cast %get3A_300 : vector<1x64x1x1x64xf32> to vector<64x64xf32>
    %sub3A_302 = arith.constant 1 : i32
    %sub3A_303 = arith.subi %scan3A_292, %sub3A_302 : i32
    %max3A_304 = arith.constant 0 : i32
    %max3A_305 = arith.maxsi %sub3A_303, %max3A_304 : i32
    %min3A_306 = arith.constant 61 : i32
    %min3A_307 = arith.minsi %max3A_305, %min3A_306 : i32
    %mul3A_308 = arith.constant 64 : i32
    %mul3A_309 = arith.muli %min3A_307, %mul3A_308 : i32
    %mul3A_310 = arith.constant 3 : i32
    %mul3A_311 = arith.muli %scan3A_292, %mul3A_310 : i32
    %add3A_312 = arith.addi %mul3A_4, %mul3A_311 : i32
    %get3A_313 = arith.index_cast %add3A_312 : i32 to index
    %get3A_314 = memref.load %arg2[%get3A_313] : memref<6144xi32, #tpu.memory_space<smem>>
    %mul3A_315 = arith.constant 3 : i32
    %mul3A_316 = arith.muli %scan3A_292, %mul3A_315 : i32
    %add3A_317 = arith.addi %mul3A_4, %mul3A_316 : i32
    %add3A_318 = arith.constant 1 : i32
    %add3A_319 = arith.addi %add3A_317, %add3A_318 : i32
    %get3A_320 = arith.index_cast %add3A_319 : i32 to index
    %get3A_321 = memref.load %arg2[%get3A_320] : memref<6144xi32, #tpu.memory_space<smem>>
    %mul3A_322 = arith.constant 3 : i32
    %mul3A_323 = arith.muli %scan3A_292, %mul3A_322 : i32
    %add3A_324 = arith.addi %mul3A_4, %mul3A_323 : i32
    %add3A_325 = arith.constant 2 : i32
    %add3A_326 = arith.addi %add3A_324, %add3A_325 : i32
    %get3A_327 = arith.index_cast %add3A_326 : i32 to index
    %get3A_328 = memref.load %arg2[%get3A_327] : memref<6144xi32, #tpu.memory_space<smem>>
    %get3A_329 = arith.constant 0 : index
    %get3A_330 = arith.index_cast %mul3A_309 : i32 to index
    %get3A_331 = arith.constant 0 : index
    %get3A_332 = arith.constant 0 : index
    %get3A_333 = arith.constant 0 : index
    %get3A_334 = vector.load %arg4[%get3A_329, %get3A_330, %get3A_331, %get3A_332, %get3A_333] : memref<1x4096x1x1x64xf32, #tpu.memory_space<vmem>>, vector<1x192x1x1x64xf32>
    %get3A_335 = vector.shape_cast %get3A_334 : vector<1x192x1x1x64xf32> to vector<192x64xf32>
    %dot_general3A_336 = arith.constant dense<0.000000e+00> : vector<64x192xf32>
    %dot_general3A_337 = tpu.matmul %get3A_301, %get3A_335, %dot_general3A_336 {dimension_numbers = #tpu.dot_dimension_numbers<[1], [1], [0], [0], [0, 0, 1, 0], [], []>, transpose_lhs_hint = false} : vector<64x64xf32>, vector<192x64xf32>, vector<64x192xf32> -> vector<64x192xf32>
    %mul3A_338 = arith.constant 64 : i32
    %mul3A_339 = arith.muli %get3A_314, %mul3A_338 : i32
    %get3A_340 = arith.constant 0 : index
    %get3A_341 = arith.index_cast %mul3A_339 : i32 to index
    %get3A_342 = arith.constant 0 : index
    %get3A_343 = arith.constant 0 : index
    %get3A_344 = arith.constant 0 : index
    %get3A_345 = vector.load %arg4[%get3A_340, %get3A_341, %get3A_342, %get3A_343, %get3A_344] : memref<1x4096x1x1x64xf32, #tpu.memory_space<vmem>>, vector<1x64x1x1x64xf32>
    %get3A_346 = vector.shape_cast %get3A_345 : vector<1x64x1x1x64xf32> to vector<64x64xf32>
    %dot_general3A_347 = arith.constant dense<0.000000e+00> : vector<64x64xf32>
    %dot_general3A_348 = tpu.matmul %get3A_301, %get3A_346, %dot_general3A_347 {dimension_numbers = #tpu.dot_dimension_numbers<[1], [1], [0], [0], [0, 0, 1, 0], [], []>, transpose_lhs_hint = false} : vector<64x64xf32>, vector<64x64xf32>, vector<64x64xf32> -> vector<64x64xf32>
    %mul3A_349 = arith.constant 64 : i32
    %mul3A_350 = arith.muli %get3A_321, %mul3A_349 : i32
    %get3A_351 = arith.constant 0 : index
    %get3A_352 = arith.index_cast %mul3A_350 : i32 to index
    %get3A_353 = arith.constant 0 : index
    %get3A_354 = arith.constant 0 : index
    %get3A_355 = arith.constant 0 : index
    %get3A_356 = vector.load %arg4[%get3A_351, %get3A_352, %get3A_353, %get3A_354, %get3A_355] : memref<1x4096x1x1x64xf32, #tpu.memory_space<vmem>>, vector<1x64x1x1x64xf32>
    %get3A_357 = vector.shape_cast %get3A_356 : vector<1x64x1x1x64xf32> to vector<64x64xf32>
    %dot_general3A_358 = arith.constant dense<0.000000e+00> : vector<64x64xf32>
    %dot_general3A_359 = tpu.matmul %get3A_301, %get3A_357, %dot_general3A_358 {dimension_numbers = #tpu.dot_dimension_numbers<[1], [1], [0], [0], [0, 0, 1, 0], [], []>, transpose_lhs_hint = false} : vector<64x64xf32>, vector<64x64xf32>, vector<64x64xf32> -> vector<64x64xf32>
    %mul3A_360 = arith.constant 64 : i32
    %mul3A_361 = arith.muli %get3A_328, %mul3A_360 : i32
    %get3A_362 = arith.constant 0 : index
    %get3A_363 = arith.index_cast %mul3A_361 : i32 to index
    %get3A_364 = arith.constant 0 : index
    %get3A_365 = arith.constant 0 : index
    %get3A_366 = arith.constant 0 : index
    %get3A_367 = vector.load %arg4[%get3A_362, %get3A_363, %get3A_364, %get3A_365, %get3A_366] : memref<1x4096x1x1x64xf32, #tpu.memory_space<vmem>>, vector<1x64x1x1x64xf32>
    %get3A_368 = vector.shape_cast %get3A_367 : vector<1x64x1x1x64xf32> to vector<64x64xf32>
    %dot_general3A_369 = arith.constant dense<0.000000e+00> : vector<64x64xf32>
    %dot_general3A_370 = tpu.matmul %get3A_301, %get3A_368, %dot_general3A_369 {dimension_numbers = #tpu.dot_dimension_numbers<[1], [1], [0], [0], [0, 0, 1, 0], [], []>, transpose_lhs_hint = false} : vector<64x64xf32>, vector<64x64xf32>, vector<64x64xf32> -> vector<64x64xf32>
    %concatenate3A_371 = tpu.concatenate %dot_general3A_337, %dot_general3A_348, %dot_general3A_359, %dot_general3A_370 in 1 : vector<64x192xf32>, vector<64x64xf32>, vector<64x64xf32>, vector<64x64xf32> -> vector<64x384xf32>
    %reduce_max3A_372 = arith.constant dense<0xFF800000> : vector<64xf32>
    %reduce_max3A_373 = vector.multi_reduction <maximumf>, %concatenate3A_371, %reduce_max3A_372 [1] : vector<64x384xf32> to vector<64xf32>
    %max3A_374 = arith.constant 0xFF800000 : f32
    %max3A_375 = vector.broadcast %max3A_374 : f32 to vector<64xf32>
    %max3A_376 = arith.maximumf %max3A_375, %reduce_max3A_373 : vector<64xf32>
    %broadcast_in_dim3A_377 = vector.shape_cast %max3A_376 : vector<64xf32> to vector<64x1xf32>
    %sub3A_378 = vector.broadcast %broadcast_in_dim3A_377 : vector<64x1xf32> to vector<64x384xf32>
    %sub3A_379 = arith.subf %concatenate3A_371, %sub3A_378 : vector<64x384xf32>
    %exp3A_380 = math.exp %sub3A_379 : vector<64x384xf32>
    %reduce_sum3A_381 = arith.constant dense<0.000000e+00> : vector<64xf32>
    %reduce_sum3A_382 = vector.multi_reduction <add>, %exp3A_380, %reduce_sum3A_381 [1] : vector<64x384xf32> to vector<64xf32>
    %broadcast_in_dim3A_383 = vector.shape_cast %reduce_sum3A_382 : vector<64xf32> to vector<64x1xf32>
    %div3A_384 = vector.broadcast %broadcast_in_dim3A_383 : vector<64x1xf32> to vector<64x384xf32>
    %div3A_385 = arith.divf %exp3A_380, %div3A_384 : vector<64x384xf32>
    %slice3A_386 = vector.extract_strided_slice %div3A_385 {offsets = [0, 0], sizes = [64, 192], strides = [1, 1]} : vector<64x384xf32> to vector<64x192xf32>
    %get3A_387 = arith.constant 0 : index
    %get3A_388 = arith.index_cast %mul3A_309 : i32 to index
    %get3A_389 = arith.constant 0 : index
    %get3A_390 = arith.constant 0 : index
    %get3A_391 = arith.constant 0 : index
    %get3A_392 = vector.load %arg5[%get3A_387, %get3A_388, %get3A_389, %get3A_390, %get3A_391] : memref<1x4096x1x1x64xf32, #tpu.memory_space<vmem>>, vector<1x192x1x1x64xf32>
    %get3A_393 = vector.shape_cast %get3A_392 : vector<1x192x1x1x64xf32> to vector<192x64xf32>
    %dot_general3A_394 = arith.constant dense<0.000000e+00> : vector<64x64xf32>
    %dot_general3A_395 = tpu.matmul %slice3A_386, %get3A_393, %dot_general3A_394 {dimension_numbers = #tpu.dot_dimension_numbers<[1], [0], [0], [1], [0, 0, 1, 1], [], []>, transpose_lhs_hint = false} : vector<64x192xf32>, vector<192x64xf32>, vector<64x64xf32> -> vector<64x64xf32>
    %slice3A_396 = vector.extract_strided_slice %div3A_385 {offsets = [0, 192], sizes = [64, 64], strides = [1, 1]} : vector<64x384xf32> to vector<64x64xf32>
    %mul3A_397 = arith.constant 64 : i32
    %mul3A_398 = arith.muli %get3A_314, %mul3A_397 : i32
    %get3A_399 = arith.constant 0 : index
    %get3A_400 = arith.index_cast %mul3A_398 : i32 to index
    %get3A_401 = arith.constant 0 : index
    %get3A_402 = arith.constant 0 : index
    %get3A_403 = arith.constant 0 : index
    %get3A_404 = vector.load %arg5[%get3A_399, %get3A_400, %get3A_401, %get3A_402, %get3A_403] : memref<1x4096x1x1x64xf32, #tpu.memory_space<vmem>>, vector<1x64x1x1x64xf32>
    %get3A_405 = vector.shape_cast %get3A_404 : vector<1x64x1x1x64xf32> to vector<64x64xf32>
    %dot_general3A_406 = arith.constant dense<0.000000e+00> : vector<64x64xf32>
    %dot_general3A_407 = tpu.matmul %slice3A_396, %get3A_405, %dot_general3A_406 {dimension_numbers = #tpu.dot_dimension_numbers<[1], [0], [0], [1], [0, 0, 1, 1], [], []>, transpose_lhs_hint = false} : vector<64x64xf32>, vector<64x64xf32>, vector<64x64xf32> -> vector<64x64xf32>
    %add3A_408 = arith.addf %dot_general3A_395, %dot_general3A_407 : vector<64x64xf32>
    %slice3A_409 = vector.extract_strided_slice %div3A_385 {offsets = [0, 256], sizes = [64, 64], strides = [1, 1]} : vector<64x384xf32> to vector<64x64xf32>
    %mul3A_410 = arith.constant 64 : i32
    %mul3A_411 = arith.muli %get3A_321, %mul3A_410 : i32
    %get3A_412 = arith.constant 0 : index
    %get3A_413 = arith.index_cast %mul3A_411 : i32 to index
    %get3A_414 = arith.constant 0 : index
    %get3A_415 = arith.constant 0 : index
    %get3A_416 = arith.constant 0 : index
    %get3A_417 = vector.load %arg5[%get3A_412, %get3A_413, %get3A_414, %get3A_415, %get3A_416] : memref<1x4096x1x1x64xf32, #tpu.memory_space<vmem>>, vector<1x64x1x1x64xf32>
    %get3A_418 = vector.shape_cast %get3A_417 : vector<1x64x1x1x64xf32> to vector<64x64xf32>
    %dot_general3A_419 = arith.constant dense<0.000000e+00> : vector<64x64xf32>
    %dot_general3A_420 = tpu.matmul %slice3A_409, %get3A_418, %dot_general3A_419 {dimension_numbers = #tpu.dot_dimension_numbers<[1], [0], [0], [1], [0, 0, 1, 1], [], []>, transpose_lhs_hint = false} : vector<64x64xf32>, vector<64x64xf32>, vector<64x64xf32> -> vector<64x64xf32>
    %add3A_421 = arith.addf %add3A_408, %dot_general3A_420 : vector<64x64xf32>
    %slice3A_422 = vector.extract_strided_slice %div3A_385 {offsets = [0, 320], sizes = [64, 64], strides = [1, 1]} : vector<64x384xf32> to vector<64x64xf32>
    %mul3A_423 = arith.constant 64 : i32
    %mul3A_424 = arith.muli %get3A_328, %mul3A_423 : i32
    %get3A_425 = arith.constant 0 : index
    %get3A_426 = arith.index_cast %mul3A_424 : i32 to index
    %get3A_427 = arith.constant 0 : index
    %get3A_428 = arith.constant 0 : index
    %get3A_429 = arith.constant 0 : index
    %get3A_430 = vector.load %arg5[%get3A_425, %get3A_426, %get3A_427, %get3A_428, %get3A_429] : memref<1x4096x1x1x64xf32, #tpu.memory_space<vmem>>, vector<1x64x1x1x64xf32>
    %get3A_431 = vector.shape_cast %get3A_430 : vector<1x64x1x1x64xf32> to vector<64x64xf32>
    %dot_general3A_432 = arith.constant dense<0.000000e+00> : vector<64x64xf32>
    %dot_general3A_433 = tpu.matmul %slice3A_422, %get3A_431, %dot_general3A_432 {dimension_numbers = #tpu.dot_dimension_numbers<[1], [0], [0], [1], [0, 0, 1, 1], [], []>, transpose_lhs_hint = false} : vector<64x64xf32>, vector<64x64xf32>, vector<64x64xf32> -> vector<64x64xf32>
    %add3A_434 = arith.addf %add3A_421, %dot_general3A_433 : vector<64x64xf32>
    %mul3A_435 = arith.constant 64 : i32
    %mul3A_436 = arith.muli %scan3A_292, %mul3A_435 : i32
    %swap3A_437 = arith.constant 0 : index
    %swap3A_438 = arith.index_cast %mul3A_436 : i32 to index
    %swap3A_439 = arith.constant 0 : index
    %swap3A_440 = arith.constant 0 : index
    %swap3A_441 = arith.constant 0 : index
    %swap3A_442 = vector.load %arg6[%swap3A_437, %swap3A_438, %swap3A_439, %swap3A_440, %swap3A_441] : memref<1x4096x1x1x64xf32, #tpu.memory_space<vmem>>, vector<1x64x1x1x64xf32>
    %swap3A_443 = vector.shape_cast %swap3A_442 : vector<1x64x1x1x64xf32> to vector<64x64xf32>
    %swap3A_444 = vector.shape_cast %add3A_434 : vector<64x64xf32> to vector<1x64x1x1x64xf32>
    tpu.vector_store %arg6[%swap3A_437, %swap3A_438, %swap3A_439, %swap3A_440, %swap3A_441], %swap3A_444 {strides = array<i32>} : memref<1x4096x1x1x64xf32, #tpu.memory_space<vmem>>, vector<1x64x1x1x64xf32>,
    %scan3A_445 = arith.constant 62 : i32
    %get3A_446 = arith.constant 0 : index
    %get3A_447 = arith.constant 4032 : index
    %get3A_448 = arith.constant 0 : index
    %get3A_449 = arith.constant 0 : index
    %get3A_450 = arith.constant 0 : index
    %get3A_451 = vector.load %arg3[%get3A_446, %get3A_447, %get3A_448, %get3A_449, %get3A_450] : memref<1x4096x1x1x64xf32, #tpu.memory_space<vmem>>, vector<1x64x1x1x64xf32>
    %get3A_452 = vector.shape_cast %get3A_451 : vector<1x64x1x1x64xf32> to vector<64x64xf32>
    %add3A_453 = arith.constant 189 : i32
    %add3A_454 = arith.addi %mul3A_4, %add3A_453 : i32
    %get3A_455 = arith.index_cast %add3A_454 : i32 to index
    %get3A_456 = memref.load %arg2[%get3A_455] : memref<6144xi32, #tpu.memory_space<smem>>
    %add3A_457 = arith.constant 189 : i32
    %add3A_458 = arith.addi %mul3A_4, %add3A_457 : i32
    %add3A_459 = arith.constant 1 : i32
    %add3A_460 = arith.addi %add3A_458, %add3A_459 : i32
    %get3A_461 = arith.index_cast %add3A_460 : i32 to index
    %get3A_462 = memref.load %arg2[%get3A_461] : memref<6144xi32, #tpu.memory_space<smem>>
    %add3A_463 = arith.constant 189 : i32
    %add3A_464 = arith.addi %mul3A_4, %add3A_463 : i32
    %add3A_465 = arith.constant 2 : i32
    %add3A_466 = arith.addi %add3A_464, %add3A_465 : i32
    %get3A_467 = arith.index_cast %add3A_466 : i32 to index
    %get3A_468 = memref.load %arg2[%get3A_467] : memref<6144xi32, #tpu.memory_space<smem>>
    %get3A_469 = arith.constant 0 : index
    %get3A_470 = arith.constant 3904 : index
    %get3A_471 = arith.constant 0 : index
    %get3A_472 = arith.constant 0 : index
    %get3A_473 = arith.constant 0 : index
    %get3A_474 = vector.load %arg4[%get3A_469, %get3A_470, %get3A_471, %get3A_472, %get3A_473] : memref<1x4096x1x1x64xf32, #tpu.memory_space<vmem>>, vector<1x192x1x1x64xf32>
    %get3A_475 = vector.shape_cast %get3A_474 : vector<1x192x1x1x64xf32> to vector<192x64xf32>
    %dot_general3A_476 = arith.constant dense<0.000000e+00> : vector<64x192xf32>
    %dot_general3A_477 = tpu.matmul %get3A_452, %get3A_475, %dot_general3A_476 {dimension_numbers = #tpu.dot_dimension_numbers<[1], [1], [0], [0], [0, 0, 1, 0], [], []>, transpose_lhs_hint = false} : vector<64x64xf32>, vector<192x64xf32>, vector<64x192xf32> -> vector<64x192xf32>
    %mul3A_478 = arith.constant 64 : i32
    %mul3A_479 = arith.muli %get3A_456, %mul3A_478 : i32
    %get3A_480 = arith.constant 0 : index
    %get3A_481 = arith.index_cast %mul3A_479 : i32 to index
    %get3A_482 = arith.constant 0 : index
    %get3A_483 = arith.constant 0 : index
    %get3A_484 = arith.constant 0 : index
    %get3A_485 = vector.load %arg4[%get3A_480, %get3A_481, %get3A_482, %get3A_483, %get3A_484] : memref<1x4096x1x1x64xf32, #tpu.memory_space<vmem>>, vector<1x64x1x1x64xf32>
    %get3A_486 = vector.shape_cast %get3A_485 : vector<1x64x1x1x64xf32> to vector<64x64xf32>
    %dot_general3A_487 = arith.constant dense<0.000000e+00> : vector<64x64xf32>
    %dot_general3A_488 = tpu.matmul %get3A_452, %get3A_486, %dot_general3A_487 {dimension_numbers = #tpu.dot_dimension_numbers<[1], [1], [0], [0], [0, 0, 1, 0], [], []>, transpose_lhs_hint = false} : vector<64x64xf32>, vector<64x64xf32>, vector<64x64xf32> -> vector<64x64xf32>
    %mul3A_489 = arith.constant 64 : i32
    %mul3A_490 = arith.muli %get3A_462, %mul3A_489 : i32
    %get3A_491 = arith.constant 0 : index
    %get3A_492 = arith.index_cast %mul3A_490 : i32 to index
    %get3A_493 = arith.constant 0 : index
    %get3A_494 = arith.constant 0 : index
    %get3A_495 = arith.constant 0 : index
    %get3A_496 = vector.load %arg4[%get3A_491, %get3A_492, %get3A_493, %get3A_494, %get3A_495] : memref<1x4096x1x1x64xf32, #tpu.memory_space<vmem>>, vector<1x64x1x1x64xf32>
    %get3A_497 = vector.shape_cast %get3A_496 : vector<1x64x1x1x64xf32> to vector<64x64xf32>
    %dot_general3A_498 = arith.constant dense<0.000000e+00> : vector<64x64xf32>
    %dot_general3A_499 = tpu.matmul %get3A_452, %get3A_497, %dot_general3A_498 {dimension_numbers = #tpu.dot_dimension_numbers<[1], [1], [0], [0], [0, 0, 1, 0], [], []>, transpose_lhs_hint = false} : vector<64x64xf32>, vector<64x64xf32>, vector<64x64xf32> -> vector<64x64xf32>
    %mul3A_500 = arith.constant 64 : i32
    %mul3A_501 = arith.muli %get3A_468, %mul3A_500 : i32
    %get3A_502 = arith.constant 0 : index
    %get3A_503 = arith.index_cast %mul3A_501 : i32 to index
    %get3A_504 = arith.constant 0 : index
    %get3A_505 = arith.constant 0 : index
    %get3A_506 = arith.constant 0 : index
    %get3A_507 = vector.load %arg4[%get3A_502, %get3A_503, %get3A_504, %get3A_505, %get3A_506] : memref<1x4096x1x1x64xf32, #tpu.memory_space<vmem>>, vector<1x64x1x1x64xf32>
    %get3A_508 = vector.shape_cast %get3A_507 : vector<1x64x1x1x64xf32> to vector<64x64xf32>
    %dot_general3A_509 = arith.constant dense<0.000000e+00> : vector<64x64xf32>
    %dot_general3A_510 = tpu.matmul %get3A_452, %get3A_508, %dot_general3A_509 {dimension_numbers = #tpu.dot_dimension_numbers<[1], [1], [0], [0], [0, 0, 1, 0], [], []>, transpose_lhs_hint = false} : vector<64x64xf32>, vector<64x64xf32>, vector<64x64xf32> -> vector<64x64xf32>
    %concatenate3A_511 = tpu.concatenate %dot_general3A_477, %dot_general3A_488, %dot_general3A_499, %dot_general3A_510 in 1 : vector<64x192xf32>, vector<64x64xf32>, vector<64x64xf32>, vector<64x64xf32> -> vector<64x384xf32>
    %iota3A_512 = tpu.iota {dimensions = array<i32: 1>} : vector<64x384xi32>
    %ge3A_513 = arith.constant 0 : i32
    %ge3A_514 = vector.broadcast %ge3A_513 : i32 to vector<64x384xi32>
    %ge3A_515 = arith.cmpi sge, %iota3A_512, %ge3A_514 : vector<64x384xi32>
    %lt3A_516 = arith.constant 64 : i32
    %lt3A_517 = vector.broadcast %lt3A_516 : i32 to vector<64x384xi32>
    %lt3A_518 = arith.cmpi slt, %iota3A_512, %lt3A_517 : vector<64x384xi32>
    %and3A_519 = arith.andi %ge3A_515, %lt3A_518 : vector<64x384xi1>
    %jit3A_520 = arith.constant -1.000000e+30 : f32
    %broadcast_in_dim3A_521 = vector.broadcast %jit3A_520 : f32 to vector<64x384xf32>
    %select_n3A_522 = arith.select %and3A_519, %broadcast_in_dim3A_521, %concatenate3A_511 : vector<64x384xi1>, vector<64x384xf32>
    %reduce_max3A_523 = arith.constant dense<0xFF800000> : vector<64xf32>
    %reduce_max3A_524 = vector.multi_reduction <maximumf>, %select_n3A_522, %reduce_max3A_523 [1] : vector<64x384xf32> to vector<64xf32>
    %max3A_525 = arith.constant 0xFF800000 : f32
    %max3A_526 = vector.broadcast %max3A_525 : f32 to vector<64xf32>
    %max3A_527 = arith.maximumf %max3A_526, %reduce_max3A_524 : vector<64xf32>
    %broadcast_in_dim3A_528 = vector.shape_cast %max3A_527 : vector<64xf32> to vector<64x1xf32>
    %sub3A_529 = vector.broadcast %broadcast_in_dim3A_528 : vector<64x1xf32> to vector<64x384xf32>
    %sub3A_530 = arith.subf %select_n3A_522, %sub3A_529 : vector<64x384xf32>
    %exp3A_531 = math.exp %sub3A_530 : vector<64x384xf32>
    %reduce_sum3A_532 = arith.constant dense<0.000000e+00> : vector<64xf32>
    %reduce_sum3A_533 = vector.multi_reduction <add>, %exp3A_531, %reduce_sum3A_532 [1] : vector<64x384xf32> to vector<64xf32>
    %broadcast_in_dim3A_534 = vector.shape_cast %reduce_sum3A_533 : vector<64xf32> to vector<64x1xf32>
    %div3A_535 = vector.broadcast %broadcast_in_dim3A_534 : vector<64x1xf32> to vector<64x384xf32>
    %div3A_536 = arith.divf %exp3A_531, %div3A_535 : vector<64x384xf32>
    %slice3A_537 = vector.extract_strided_slice %div3A_536 {offsets = [0, 0], sizes = [64, 192], strides = [1, 1]} : vector<64x384xf32> to vector<64x192xf32>
    %get3A_538 = arith.constant 0 : index
    %get3A_539 = arith.constant 3904 : index
    %get3A_540 = arith.constant 0 : index
    %get3A_541 = arith.constant 0 : index
    %get3A_542 = arith.constant 0 : index
    %get3A_543 = vector.load %arg5[%get3A_538, %get3A_539, %get3A_540, %get3A_541, %get3A_542] : memref<1x4096x1x1x64xf32, #tpu.memory_space<vmem>>, vector<1x192x1x1x64xf32>
    %get3A_544 = vector.shape_cast %get3A_543 : vector<1x192x1x1x64xf32> to vector<192x64xf32>
    %dot_general3A_545 = arith.constant dense<0.000000e+00> : vector<64x64xf32>
    %dot_general3A_546 = tpu.matmul %slice3A_537, %get3A_544, %dot_general3A_545 {dimension_numbers = #tpu.dot_dimension_numbers<[1], [0], [0], [1], [0, 0, 1, 1], [], []>, transpose_lhs_hint = false} : vector<64x192xf32>, vector<192x64xf32>, vector<64x64xf32> -> vector<64x64xf32>
    %slice3A_547 = vector.extract_strided_slice %div3A_536 {offsets = [0, 192], sizes = [64, 64], strides = [1, 1]} : vector<64x384xf32> to vector<64x64xf32>
    %mul3A_548 = arith.constant 64 : i32
    %mul3A_549 = arith.muli %get3A_456, %mul3A_548 : i32
    %get3A_550 = arith.constant 0 : index
    %get3A_551 = arith.index_cast %mul3A_549 : i32 to index
    %get3A_552 = arith.constant 0 : index
    %get3A_553 = arith.constant 0 : index
    %get3A_554 = arith.constant 0 : index
    %get3A_555 = vector.load %arg5[%get3A_550, %get3A_551, %get3A_552, %get3A_553, %get3A_554] : memref<1x4096x1x1x64xf32, #tpu.memory_space<vmem>>, vector<1x64x1x1x64xf32>
    %get3A_556 = vector.shape_cast %get3A_555 : vector<1x64x1x1x64xf32> to vector<64x64xf32>
    %dot_general3A_557 = arith.constant dense<0.000000e+00> : vector<64x64xf32>
    %dot_general3A_558 = tpu.matmul %slice3A_547, %get3A_556, %dot_general3A_557 {dimension_numbers = #tpu.dot_dimension_numbers<[1], [0], [0], [1], [0, 0, 1, 1], [], []>, transpose_lhs_hint = false} : vector<64x64xf32>, vector<64x64xf32>, vector<64x64xf32> -> vector<64x64xf32>
    %add3A_559 = arith.addf %dot_general3A_546, %dot_general3A_558 : vector<64x64xf32>
    %slice3A_560 = vector.extract_strided_slice %div3A_536 {offsets = [0, 256], sizes = [64, 64], strides = [1, 1]} : vector<64x384xf32> to vector<64x64xf32>
    %mul3A_561 = arith.constant 64 : i32
    %mul3A_562 = arith.muli %get3A_462, %mul3A_561 : i32
    %get3A_563 = arith.constant 0 : index
    %get3A_564 = arith.index_cast %mul3A_562 : i32 to index
    %get3A_565 = arith.constant 0 : index
    %get3A_566 = arith.constant 0 : index
    %get3A_567 = arith.constant 0 : index
    %get3A_568 = vector.load %arg5[%get3A_563, %get3A_564, %get3A_565, %get3A_566, %get3A_567] : memref<1x4096x1x1x64xf32, #tpu.memory_space<vmem>>, vector<1x64x1x1x64xf32>
    %get3A_569 = vector.shape_cast %get3A_568 : vector<1x64x1x1x64xf32> to vector<64x64xf32>
    %dot_general3A_570 = arith.constant dense<0.000000e+00> : vector<64x64xf32>
    %dot_general3A_571 = tpu.matmul %slice3A_560, %get3A_569, %dot_general3A_570 {dimension_numbers = #tpu.dot_dimension_numbers<[1], [0], [0], [1], [0, 0, 1, 1], [], []>, transpose_lhs_hint = false} : vector<64x64xf32>, vector<64x64xf32>, vector<64x64xf32> -> vector<64x64xf32>
    %add3A_572 = arith.addf %add3A_559, %dot_general3A_571 : vector<64x64xf32>
    %slice3A_573 = vector.extract_strided_slice %div3A_536 {offsets = [0, 320], sizes = [64, 64], strides = [1, 1]} : vector<64x384xf32> to vector<64x64xf32>
    %mul3A_574 = arith.constant 64 : i32
    %mul3A_575 = arith.muli %get3A_468, %mul3A_574 : i32
    %get3A_576 = arith.constant 0 : index
    %get3A_577 = arith.index_cast %mul3A_575 : i32 to index
    %get3A_578 = arith.constant 0 : index
    %get3A_579 = arith.constant 0 : index
    %get3A_580 = arith.constant 0 : index
    %get3A_581 = vector.load %arg5[%get3A_576, %get3A_577, %get3A_578, %get3A_579, %get3A_580] : memref<1x4096x1x1x64xf32, #tpu.memory_space<vmem>>, vector<1x64x1x1x64xf32>
    %get3A_582 = vector.shape_cast %get3A_581 : vector<1x64x1x1x64xf32> to vector<64x64xf32>
    %dot_general3A_583 = arith.constant dense<0.000000e+00> : vector<64x64xf32>
    %dot_general3A_584 = tpu.matmul %slice3A_573, %get3A_582, %dot_general3A_583 {dimension_numbers = #tpu.dot_dimension_numbers<[1], [0], [0], [1], [0, 0, 1, 1], [], []>, transpose_lhs_hint = false} : vector<64x64xf32>, vector<64x64xf32>, vector<64x64xf32> -> vector<64x64xf32>
    %add3A_585 = arith.addf %add3A_572, %dot_general3A_584 : vector<64x64xf32>
    %swap3A_586 = arith.constant 0 : index
    %swap3A_587 = arith.constant 4032 : index
    %swap3A_588 = arith.constant 0 : index
    %swap3A_589 = arith.constant 0 : index
    %swap3A_590 = arith.constant 0 : index
    %swap3A_591 = vector.load %arg6[%swap3A_586, %swap3A_587, %swap3A_588, %swap3A_589, %swap3A_590] : memref<1x4096x1x1x64xf32, #tpu.memory_space<vmem>>, vector<1x64x1x1x64xf32>
    %swap3A_592 = vector.shape_cast %swap3A_591 : vector<1x64x1x1x64xf32> to vector<64x64xf32>
    %swap3A_593 = vector.shape_cast %add3A_585 : vector<64x64xf32> to vector<1x64x1x1x64xf32>
    tpu.vector_store %arg6[%swap3A_586, %swap3A_587, %swap3A_588, %swap3A_589, %swap3A_590], %swap3A_593 {strides = array<i32>} : memref<1x4096x1x1x64xf32, #tpu.memory_space<vmem>>, vector<1x64x1x1x64xf32>,
    return
  }
  func.func @transform_0(%arg0: i32, %arg1: i32, %arg2: memref<6144xi32, #tpu.memory_space<smem>>) -> (i32, i32, i32, i32, i32) {
    %add3A = arith.constant 0 : i32
    %add3A_0 = arith.addi %add3A, %arg1 : i32
    %c0_i32 = arith.constant 0 : i32
    %c0_i32_1 = arith.constant 0 : i32
    %c0_i32_2 = arith.constant 0 : i32
    %c0_i32_3 = arith.constant 0 : i32
    return %arg0, %c0_i32, %add3A_0, %c0_i32_1, %c0_i32_2 : i32, i32, i32, i32, i32
  }
  func.func @transform_1(%arg0: i32, %arg1: i32, %arg2: memref<6144xi32, #tpu.memory_space<smem>>) -> (i32, i32, i32, i32, i32) {
    %add3A = arith.constant 16 : i32
    %add3A_0 = arith.addi %add3A, %arg1 : i32
    %c0_i32 = arith.constant 0 : i32
    %c0_i32_1 = arith.constant 0 : i32
    %c0_i32_2 = arith.constant 0 : i32
    %c0_i32_3 = arith.constant 0 : i32
    return %arg0, %c0_i32, %add3A_0, %c0_i32_1, %c0_i32_2 : i32, i32, i32, i32, i32
  }
  func.func @transform_2(%arg0: i32, %arg1: i32, %arg2: memref<6144xi32, #tpu.memory_space<smem>>) -> (i32, i32, i32, i32, i32) {
    %add3A = arith.constant 32 : i32
    %add3A_0 = arith.addi %add3A, %arg1 : i32
    %c0_i32 = arith.constant 0 : i32
    %c0_i32_1 = arith.constant 0 : i32
    %c0_i32_2 = arith.constant 0 : i32
    %c0_i32_3 = arith.constant 0 : i32
    return %arg0, %c0_i32, %add3A_0, %c0_i32_1, %c0_i32_2 : i32, i32, i32, i32, i32
  }
  func.func @transform_3(%arg0: i32, %arg1: i32, %arg2: memref<6144xi32, #tpu.memory_space<smem>>) -> (i32, i32, i32, i32, i32) {
    %c0_i32 = arith.constant 0 : i32
    %c0_i32_0 = arith.constant 0 : i32
    %c0_i32_1 = arith.constant 0 : i32
    %c0_i32_2 = arith.constant 0 : i32
    return %arg0, %c0_i32, %arg1, %c0_i32_0, %c0_i32_1 : i32, i32, i32, i32, i32
  }
}

</mosaic_0001>

<sc_bundles>
// kernel: sparse-core-data-format-call.cloned.1.call-start
scs
called_computation_lowered:
.L_overlay_start_0:
0x0: {  	s2 =	sld [smem:$0x3FD9]  }
0x1: {  	s3 =	sld [smem:$0x3FFE];
	_ =	sdelay $0x1  }
0x2: {  	s1 =	srdreg.scid  }
0x3: {  	s0 =	sand.u32 $0x1, s1  }
0x4: {  	s18 =	sshll.u32 s0, $0xA;
	s2 =	sadd.s32 s3, s2  }
0x5: {  	s2 =	sadd.s32 s2, s18  }
0x6: {  	[smem:$0x3FC0] =	sst s2  }
0x7: {  	_ = 	snop  }
0x8: {  	s2 =	sld [smem:$0x3FD0];
	(tm) =	ssettm $0x1  }
0x9: {  	s19 =	sld [smem:$0x3FFB];
	_ =	sdelay $0x3  }
0xa: {  	_ =	strace s19  }
0xb: {  	s3 =	sld [smem:$0x3FFC];
	_ =	sdelay $0x3  }
0xc: {  	_ =	strace s3  }
0xd: {  	s3 =	sld [smem:$0x3FFD];
	_ =	sdelay $0x3  }
0xe: {  	_ =	strace s3  }
0xf: {  	_ =	strace $0x8FFFFFFF  }
0x10: {  	s20 =	sld [smem:$0x3FDB];
	_ =	sdelay $0x1  }
0x11: {  	s4 =	simm.s32 $_scs_section_size  }
0x12: {  	s5 =	simm.s32 $_size__tile_overlayer_lowered;
	s6 =	simm.s32 $_tile_overlayer_lowered  }
0x13: {  	s23 =	simm.s32 $0x1BFF;
	s22 =	sshll.u32 s6, $0x1;
	s3 =	sadd.s32 s4, s20  }
0x14: {  	s7 =	simm.s32 $0x0;
	s21 =	sshll.u32 s5, $0x1;
	s5 =	sadd.s32 s22, s3  }
0x15: {  	[timem:s7], [sflag:s23] =	dma.local [hbm:s5], s21  }
0x16: {  	_ =	swait.ge [sflag:s23], s21  }
0x17: {  	s4 =	ssub.s32 $0x0, s21;
	[sflag:s23] =	ssyncset.done $0x0  }
0x18: {  	[sflag:s23] =	ssyncadd.s32 s4;
	_ =	sdelay $0x1  }
0x19: {  	s24 =	simm.s32 $0x1B8B  }
0x1a: {  	_ =	swait.ge [sflag:s24], $0x1  }
0x1b: {  	[sflag:s24] =	ssyncset.done $0x0  }
0x1c: {  	s26 =	simm.s32 $0x1B8E;
	s25 =	sld [smem:$0x3FFE];
	[sflag:s24] =	ssyncadd.s32 $0xFFFFFFFF  }
0x1d: {  	s27 =	simm.s32 $execute0_lowered;
	[smem:$0x3FD2] =	sst s26  }
0x1e: {  	s5 =	sshll.u32 s27, $0x1;
	_ =	strace $0x80000046;
	[dreg:$0x1] =	wrdreg $0xFFFFFFFF  }
0x1f: {  	s28 =	simm.s32 $_size_execute0_lowered;
	s3 =	sadd.s32 s3, s5;
	[dreg:$0x0] =	wrdreg $0x0  }
0x20: {  	s5 =	sshll.u32 s28, $0x1;
	[dreg:$0x2] =	wrdreg s3  }
0x21: {  	[dreg:$0x3] =	wrdreg s5  }
0x22: {  	[dreg:$0x4] =	wrdreg $0xC0  }
0x23: {  	_ =	task [dreg:s7], $0x5FFFF  }
0x24: {  	[dreg:$0x1] =	wrdreg $0xFFFFFFFF  }
0x25: {  	[dreg:$0x0] =	wrdreg $0x60  }
0x26: {  	[dreg:$0x2] =	wrdreg s25  }
0x27: {  	[dreg:$0x3] =	wrdreg s2  }
0x28: {  	[dreg:$0x4] =	wrdreg $0x9  }
0x29: {  	_ =	task.clear_ibuf [dreg:s7], $0x5FFFF;
	_ =	strace $0x90000046  }
0x2a: {  	s29 =	simm.s32 $0x9;
	_ =	strace $0x80000048  }
0x2b: {  	_ =	swait.ge [sflag:s29], $0x1  }
0x2c: {  	[sflag:s29] =	ssyncadd.s32 $0xFFFFFFFF  }
0x2d: {  	_ =	strace $0x90000048  }
0x2e: {  	_ =	sfence  }
0x2f: {  	s30 =	sld [smem:$0x0];
	_ =	sdelay $0x2  }
0x30: {  	s31 =	sshll.u32 s1, $0xD;
	s1 =	sshrl.u32 s1, $0x2  }
0x31: {  	s3 =	sand.u32 $0x4000, s31;
	s1 =	sadd.s32 s1, s30  }
0x32: {  	s0 =	sor.u32 s3, s0;
	s1 =	sshll.u32 s1, $0x11  }
0x33: {  	s0 =	sor.u32 s1, s0  }
0x34: {  	s0 =	sadd.s32 $0x8F2B, s0  }
0x35: {  	[sflag:s0] =	ssyncadd.remote.s32 $0x1  }
0x36: {  	_ =	sfence.sel $0xFFFF  }
0x37: {  	[dreg:$0x0] =	wrdreg $0xFFFFFFFF;
	(pc) =	sbr.abs _section_cstart, $3  }
0x38: {  	[dreg:$0x1] =	wrdreg $0xFFFFFFFF  }
0x39: {  	_ =	task.clear_ibuf [dreg:s7], $0x2FFFF;
	_ =	strace $0x9FFFFFFF  }
0x3a: {  	(tm) =	ssettm $0x7FFFFFFF  }
0x3b: {  	_ =	shalt  }
tec
execute0_lowered:
.L_overlay_start_1:
0x0: {  	(tag) =	ssettag $0x1  }
0x1: {  	s8 =	rddreg [dreg:$0x0]  }
0x2: {  	s0 =	stileid.u32;
	s1 =	rddreg [dreg:$0x1]  }
0x3: {  	s4 =	srdreg.scid;
	s31 =	simm.s32 $0x2;
	s17 =	simm.s32 $0x0  }
0x4: {  	s15 =	simm.s32 $0x0;
	s16 =	simm.s32 $0x0;
	s3 =	sshll.u32 s0, $0x6  }
0x5: {  	s14 =	simm.s32 $0x0;
	s2 =	sand.u32 $0x1, s0;
	s3 =	sand.u32 $0x380, s3  }
0x6: {  	s4 =	sshll.u32 s4, $0x7;
	s8 =	sadd.s32 $0x201000, s8;
	s6 =	ssub.s32 $0x400, s3  }
0x7: {  	s5 =	ssub.s32 $0x2, s2;
	s4 =	sand.u32 $0x80, s4;
	s9 =	sand.u32 $0x380, s6  }
0x8: {  	s7 =	sshrl.u32 s5, $0x1;
	p0 =	sne.s32 s9, $0x0;
	s9 =	simm.s32 $0x1  }
0x9: {  	s5 =	sand.u32 $0x1, s5;
	s6 =	sshrl.u32 s6, $0xA;
	s9 =	simm.s32 @!p0 $0x0  }
0xa: {  	s10 =	ssub.s32 $0x1000, s4;
	s5 =	sadd.s32 s5, s7;
	s6 =	sadd.s32 s9, s6  }
0xb: {  	s13 =	smov.u32 s2;
	s28 =	sshrl.u32 s10, $0x7;
	s30 =	smul.u32 s5, s6  }
.Ltmp0:
0xc: {  	s29 =	sshrl.u32 s10, $0x8;
	s7 =	sand.u32 $0x1, s28;
	(pc) =	sbr.rel .LBB1_1-.Ltmp0, $4  }
0xd: {  	s11 =	smov.u32 s4;
	s7 =	sadd.s32 s29, s7;
	s5 =	rddreg [dreg:$0x2]  }
0xe: {  	_ =	strace $0x80000047;
	s6 =	simm.s32 $0x1;
	s7 =	smul.u32 s7, s30  }
0xf: {  	s12 =	smov.u32 s3;
	s10 =	simm.s32 $0x2000;
	[sflag:s6] =	ssyncpa.u1 $0x0  }
0x10: {  	p0 =	por $0x0, $0x0;
	[sflag:s31] =	ssyncpa.u1 $0x0;
	s9 =	sadd.s32 $0x1, s7  }
.LBB1_4:
0x11: {  	v5 =	vld [tilespmem:s21+$0xFFFFFFD0];
	[tilespmem:s20+$0x2040 ss:$0x81] =	vst.msk $0xffff, v1  }
0x12: {  	v58 =	vld [tilespmem:s21+$0xFFFFFFE0];
	[tilespmem:s20+$0x2850 ss:$0x81] =	vst.msk $0xffff, v2  }
0x13: {  	s22 =	sshra.s32 s22, $0x2;
	v59 =	vld [tilespmem:s21+$0xFFFFFFF0];
	[tilespmem:s20+$0x3060 ss:$0x81] =	vst.msk $0xffff, v3  }
0x14: {  	v60 =	vld [tilespmem:s21+$0x0];
	[tilespmem:s20+$0x0 ss:$0x81] =	vst.msk $0xffff, v0;
	s19 =	sadd.s32 s22, s19  }
0x15: {  	v61 =	vld [tilespmem:s21+$0x10];
	[tilespmem:s19+$0x3870 ss:$0x81] =	vst.msk $0xffff, v4  }
0x16: {  	v62 =	vld [tilespmem:s21+$0x20];
	s26 =	sshll.u32 s17, $0xA;
	s27 =	sshll.u32 s15, $0x3;
	[tilespmem:s19+$0x810 ss:$0x81] =	vst.msk $0xffff, v5  }
0x17: {  	v63 =	vld [tilespmem:s21+$0xFFFFFFC0];
	s29 =	sshll.u32 s17, $0x7;
	s30 =	sand.u32 $0x78, s15;
	s16 =	sshll.u32 s16, $0x13;
	[tilespmem:s19+$0x1020 ss:$0x81] =	vst.msk $0xffff, v58  }
0x18: {  	s20 =	sand.u32 $0x3FE000, s26;
	s28 =	sand.u32 $0x3FFC00, s27;
	s17 =	sand.u32 $0x380, s29;
	[tilespmem:s19+$0x1830 ss:$0x81] =	vst.msk $0xffff, v59  }
0x19: {  	s31 =	sand.u32 $0x7, s15;
	s20 =	sadd.s32 s28, s20;
	s17 =	sor.u32 s30, s17;
	[tilespmem:s19+$0x2040 ss:$0x81] =	vst.msk $0xffff, v60  }
0x1a: {  	s16 =	sadd.s32 s1, s16;
	s20 =	sshrl.u32 s20, $0x3;
	s17 =	sshrl.u32 s17, $0x3;
	[tilespmem:s19+$0x2850 ss:$0x81] =	vst.msk $0xffff, v61  }
0x1b: {  	s15 =	sshll.u32 s31, $0x12;
	s20 =	sand.u32 $0x7FF80, s20;
	s16 =	sadd.s32 s17, s16;
	[tilespmem:s19+$0x3060 ss:$0x81] =	vst.msk $0xffff, v62  }
0x1c: {  	s15 =	sor.u32 $0x400, s15;
	[tilespmem:s19+$0x0 ss:$0x81] =	vst.msk $0xffff, v63;
	s16 =	sadd.s32 s20, s16  }
0x1d: {  	[hbm4b:s16+s15] =	stream.strided.scatter [tilespmem:s18], [sflag:$0x2], $0x4000, s10, s15, $0x20;
	[tilespmem:$0x10100] =	vst v63  }
.LBB1_5:
0x1e: {  	s18 =	sadd.s32 $0x100, s11  }
0x1f: {  	s15 =	sadd.s32 $0x400, s12;
	s19 =	smov.u32 s12;
	p2 =	sgt.s32 s18, $0xFFF  }
0x20: {  	s19 =	smov.u32 @p2 s15  }
0x21: {  	s21 =	smov.u32 s13;
	s15 =	sadd.s32 $0x2, s13;
	p3 =	sgt.s32 s19, $0x3FF  }
0x22: {  	s21 =	smov.u32 @p3 s15  }
0x23: {  	s18 =	smov.u32 @p2 s4;
	p2 =	sgt.s32 s21, $0x1  }
0x24: {  	p1 =	slt.u32 s14, $0x2;
	s21 =	smov.u32 @p2 s2;
	p2 =	sne.s32 s14, s9  }
.Ltmp1:
0x25: {  	s20 =	simm.s32 @!p1 $0x2;
	(pc) =	sbr.rel @!p2 .LBB1_6-.Ltmp1, $4  }
0x26: {  	s17 =	smov.u32 s11;
	s16 =	smov.u32 s13;
	_ =	swait.ge @!p1 [sflag:s20], $0x4000  }
0x27: {  	p0 =	por !p0, !p0;
	[sflag:s20] =	ssyncset.done @!p1 $0x0;
	s11 =	smov.u32 s18  }
0x28: {  	s19 =	smov.u32 @p3 s3;
	s15 =	smov.u32 s12;
	[sflag:s20] =	ssyncadd.s32 @!p1 $0xFFFFC000  }
0x29: {  	s12 =	smov.u32 s19;
	s14 =	sadd.s32 $0x1, s14;
	s13 =	smov.u32 s21  }
.LBB1_1:
0x2a: {  	p1 =	sge.u32 s14, s7;
	s31 =	sadd.s32 $0xFFFFFFFF, s14  }
0x2b: {  	s18 =	sxor.u32 @!p1 $0xFFFFFFFF, s14;
	s19 =	sand.u32 @!p1 $0x78, s11;
	s20 =	sshll.u32 @!p1 s12, $0xC  }
0x2c: {  	s21 =	sshll.u32 @!p1 s12, $0x7;
	s22 =	sshll.u32 @!p1 s11, $0x3;
	s18 =	sshll.u32 @!p1 s18, $0xE  }
0x2d: {  	s20 =	sand.u32 @!p1 $0x3F8000, s20;
	s21 =	sand.u32 @!p1 $0x380, s21;
	s18 =	sand.u32 @!p1 $0x4000, s18  }
0x2e: {  	s20 =	sadd.s32 @!p1 s20, s22;
	s22 =	sand.u32 @!p1 $0xC00, s22;
	s19 =	sor.u32 @!p1 s21, s19  }
0x2f: {  	s21 =	sshll.u32 @!p1 s13, $0x13;
	s19 =	sor.u32 @!p1 s22, s19;
	s20 =	sshrl.u32 @!p1 s20, $0x3  }
0x30: {  	s21 =	sadd.s32 @!p1 s8, s21;
	s22 =	sand.u32 @!p1 $0x7, s11;
	s20 =	sand.u32 @!p1 $0x7FE00, s20  }
0x31: {  	s19 =	sshrl.u32 @!p1 s19, $0x3;
	s20 =	sadd.s32 @!p1 s20, s21;
	s21 =	sshll.u32 @!p1 s22, $0x12  }
0x32: {  	s19 =	sadd.s32 @!p1 s19, s20;
	s20 =	sor.u32 @!p1 $0x400, s21;
	s21 =	simm.s32 @!p1 $0x8000  }
0x33: {  	[tilespmem:s18], [sflag:$0x1] =	stream.strided.gather @!p1 [hbm4b:s19+s20], $0x4000, s21, s20, $0x38;
	[tilespmem:$0x10100] =	vst v63  }
0x34: {  	p1 =	sge.u32 s31, s7  }
.Ltmp2:
0x35: {  	_ = 	snop;
	(pc) =	sbr.rel @p1 .LBB1_5-.Ltmp2, $1  }
0x36: {  	_ =	sdelay $0x3  }
0x37: {  	s18 =	simm.s32 $0x1  }
0x38: {  	_ =	swait.ge [sflag:s6], $0x4000;
	s18 =	simm.s32 @!p0 $0x0  }
0x39: {  	[sflag:s6] =	ssyncset.done $0x0;
	s19 =	sshll.u32 s18, $0xE  }
0x3a: {  	[sflag:s6] =	ssyncadd.s32 $0xFFFFC000;
	s21 =	sor.u32 $0x40, s19  }
0x3b: {  	s18 =	smul.u32 $0x10200, s18;
	v0 =	vld [tilespmem:s21+$0x30]  }
0x3c: {  	v3 =	vld [tilespmem:s21+$0xFFFFFFD0]  }
0x3d: {  	s18 =	sshrl.u32 s18, $0x2;
	v4 =	vld [tilespmem:s21+$0xFFFFFFE0]  }
0x3e: {  	v5 =	vld [tilespmem:s21+$0xFFFFFFF0];
	s19 =	sor.u32 $0x8000, s18  }
0x3f: {  	s31 =	sand.u32 $0x1, s14;
	v1 =	vld [tilespmem:s21+$0x0];
	s20 =	sadd.s32 $0x0, s19  }
0x40: {  	v2 =	vld [tilespmem:s21+$0x10];
	s18 =	smul.u32 $0x10200, s31;
	[tilespmem:s20+$0x3870 ss:$0x81] =	vst.msk $0xffff, v0  }
0x41: {  	[tilespmem:s20+$0x810 ss:$0x81] =	vst.msk $0xffff, v3;
	v3 =	vld [tilespmem:s21+$0x20]  }
0x42: {  	s18 =	sshrl.u32 s18, $0x2;
	v0 =	vld [tilespmem:s21+$0xFFFFFFC0];
	[tilespmem:s20+$0x1020 ss:$0x81] =	vst.msk $0xffff, v4;
	s21 =	sadd.s32 $0x80, s21  }
0x43: {  	s22 =	simm.s32 $0x4;
	s23 =	simm.s32 $0x8;
	s18 =	sor.u32 $0x8000, s18;
	[tilespmem:s20+$0x1830 ss:$0x81] =	vst.msk $0xffff, v5;
	v4 =	vld [tilespmem:s21+$0x30]  }
.LBB1_3:
0x44: {  	p1 =	sne.s32 s23, $0x1FC;
	v5 =	vld [tilespmem:s21+$0xFFFFFFD0];
	[tilespmem:s20+$0x2040 ss:$0x81] =	vst.msk $0xffff, v1  }
0x45: {  	v6 =	vld [tilespmem:s21+$0xFFFFFFE0];
	[tilespmem:s20+$0x2850 ss:$0x81] =	vst.msk $0xffff, v2  }
0x46: {  	s24 =	sshra.s32 s22, $0x2;
	s22 =	smov.u32 s23;
	v7 =	vld [tilespmem:s21+$0xFFFFFFF0];
	[tilespmem:s20+$0x3060 ss:$0x81] =	vst.msk $0xffff, v3  }
.Ltmp3:
0x47: {  	v1 =	vld [tilespmem:s21+$0x0];
	[tilespmem:s20+$0x0 ss:$0x81] =	vst.msk $0xffff, v0;
	s20 =	sadd.s32 s24, s19;
	(pc) =	sbr.rel @p1 .LBB1_3-.Ltmp3, $4  }
0x48: {  	v2 =	vld [tilespmem:s21+$0x10];
	[tilespmem:s20+$0x3870 ss:$0x81] =	vst.msk $0xffff, v4  }
0x49: {  	[tilespmem:s20+$0x810 ss:$0x81] =	vst.msk $0xffff, v5;
	v3 =	vld [tilespmem:s21+$0x20]  }
0x4a: {  	v0 =	vld [tilespmem:s21+$0xFFFFFFC0];
	[tilespmem:s20+$0x1020 ss:$0x81] =	vst.msk $0xffff, v6;
	s21 =	sadd.s32 $0x80, s21  }
0x4b: {  	s23 =	sadd.s32 $0x4, s23;
	v4 =	vld [tilespmem:s21+$0x30];
	[tilespmem:s20+$0x1830 ss:$0x81] =	vst.msk $0xffff, v7  }
.Ltmp4:
0x4c: {  	_ = 	snop;
	(pc) =	sbr.rel .LBB1_4-.Ltmp4, $1  }
0x4d: {  	_ =	sdelay $0x3  }
.LBB1_6:
0x4e: {  	_ =	sfence.sel $0x180000  }
0x4f: {  	s1 =	simm.s32 $0x1;
	[bflag:$0x0] =	sbarrier.arrive $0xFFFF  }
0x50: {  	s31 =	simm.s32 $0x2;
	[sflag:s1] =	ssyncpa.u1 $0x1  }
0x51: {  	[sflag:s31] =	ssyncpa.u1 $0x1  }
0x52: {  	p0 =	sne.s32 s0, $0x0;
	_ =	strace $0x90000047  }
0x53: {  	s0 =	sadd.s32 @!p0 $0x100000, s5;
	[bflag:$0x2] =	sbarrier.arrive $0xFFFF  }
0x54: {  	[sflag:s0] =	ssyncadd.tile.s32 @!p0 $0x1;
	_ =	shalt  }
.Lfunc_end1:
_tile_overlayer_lowered:
.L_overlay_start_2:
0x55: {  	(tag) =	ssettag $0x2  }
0x56: {  	s0 =	rddreg [dreg:$0x0];
	s2 =	stileid.u32  }
0x57: {  	s1 =	rddreg [dreg:$0x1];
	p0 =	sne.s32 s2, $0x0  }
0x58: {  	s3 =	rddreg [dreg:$0x2];
	[bflag:$0x3] =	sbarrier.arrive $0xFFFF;
	s2 =	simm.s32 @!p0 $0x1C01  }
0x59: {  	[timem:s3], [sflag:s2] =	dma.local @!p0 [hbm:s0], s1  }
0x5a: {  	s0 =	simm.s32 @!p0 $0x1  }
0x5b: {  	_ =	swait.ge @!p0 [sflag:s0], s1  }
0x5c: {  	s1 =	ssub.s32 @!p0 $0x0, s1;
	[sflag:s0] =	ssyncset.done @!p0 $0x0  }
0x5d: {  	[sflag:s0] =	ssyncadd.s32 @!p0 s1  }
0x5e: {  	[bflag:$0x3] =	sbarrier.arrive $0xFFFF  }
0x5f: {  	_ =	shalt  }

</sc_bundles>
